<compile_context>
chip_gen: v7x
topology: tpu7x:2x2x1
jax: 0.10.2.dev20260603
libtpu: 0.0.44.dev20260713+nightly
codegen_flags: <defaults>
</compile_context>

<pallas_src>
import functools

import jax
import jax.numpy as jnp
from jax import lax
from jax.experimental import pallas as pl
from jax.experimental.pallas import tpu as pltpu
from jax.experimental.pallas import tpu_sc as plsc

M, C, F = 4, 128, 50000
K = 3
NC, NS, L = 2, 16, 16
NW = NC * NS
ROWS_PER_W = (M * C) // NW
W_PER_MESH = C // ROWS_PER_W

FP = 50048
NG = FP // (2 * L)
NCHUNK = 4
GC = NG // NCHUNK
FC = GC * 2 * L
F_LAST = F - (NCHUNK - 1) * FC


def _sc_body(fea_hbm, ring_hbm, out_hbm, fea_buf, ia0, ia1, ia2, ib0, ib1,
             ib2, out_a, out_b, sem_ia, sem_ib, sem_oa, sem_ob):
    cid = lax.axis_index("c")
    sid = lax.axis_index("s")
    wid = cid * NS + sid
    m = wid // W_PER_MESH
    c0 = (wid % W_PER_MESH) * ROWS_PER_W

    ibufs = [((ia0, ia1, ia2), sem_ia), ((ib0, ib1, ib2), sem_ib)]
    obufs = [(out_a, sem_oa), (out_b, sem_ob)]

    iota2 = lax.iota(jnp.int32, L) * 2

    def idx_dma(fc):
        ibs, s_i = ibufs[fc % 2]
        return [
            pltpu.async_copy(
                ring_hbm.at[m, k, pl.ds(fc * GC * L, GC * L)], ibs[k], s_i)
            for k in range(K)
        ]

    def row_body(r, carry):
        row = m * C + c0 + r
        pltpu.sync_copy(fea_hbm.at[pl.ds(row * F, F)], fea_buf.at[pl.ds(0, F)])

        h_idx = [None] * NCHUNK
        h_out = [None] * NCHUNK
        h_idx[0] = idx_dma(0)

        for fc in range(NCHUNK):
            ibs = ibufs[fc % 2][0]
            ob, s_o = obufs[fc % 2]
            if fc + 1 < NCHUNK:
                h_idx[fc + 1] = idx_dma(fc + 1)
            for h in h_idx[fc]:
                h.wait()
            if fc >= 2:
                h_out[fc - 2].wait()
            cb = fc * FC

            @plsc.parallel_loop(0, GC, 1, unroll=4)
            def group_body(g, ibs=ibs, ob=ob, cb=cb):
                x0 = ibs[0][pl.ds(g * L, L)]
                x1 = ibs[1][pl.ds(g * L, L)]
                x2 = ibs[2][pl.ds(g * L, L)]
                lo0 = x0 & 0xFFFF
                lo1 = x1 & 0xFFFF
                lo2 = x2 & 0xFFFF
                hi0 = lax.shift_right_logical(x0, 16)
                hi1 = lax.shift_right_logical(x1, 16)
                hi2 = lax.shift_right_logical(x2, 16)
                ev = iota2 + (cb + g * 2 * L)
                od = ev + 1
                v_ev = plsc.load_gather(fea_buf, [ev])
                v_od = plsc.load_gather(fea_buf, [od])
                g0 = plsc.load_gather(fea_buf, [lo0])
                g1 = plsc.load_gather(fea_buf, [lo1])
                g2 = plsc.load_gather(fea_buf, [lo2])
                g3 = plsc.load_gather(fea_buf, [hi0])
                g4 = plsc.load_gather(fea_buf, [hi1])
                g5 = plsc.load_gather(fea_buf, [hi2])
                oev = iota2 + g * 2 * L
                plsc.store_scatter(ob, [oev], jnp.maximum(
                    jnp.maximum(v_ev, g0), jnp.maximum(g1, g2)))
                plsc.store_scatter(ob, [oev + 1], jnp.maximum(
                    jnp.maximum(v_od, g3), jnp.maximum(g4, g5)))

            n_out = FC if fc + 1 < NCHUNK else F_LAST
            h_out[fc] = pltpu.async_copy(
                ob.at[pl.ds(0, n_out)],
                out_hbm.at[pl.ds(row * F + cb, n_out)], s_o)

        h_out[NCHUNK - 2].wait()
        h_out[NCHUNK - 1].wait()
        return carry

    lax.fori_loop(0, ROWS_PER_W, row_body, 0)


_sc_pool = functools.partial(
    pl.kernel,
    mesh=plsc.VectorSubcoreMesh(core_axis_name="c", subcore_axis_name="s"),
    compiler_params=pltpu.CompilerParams(
        needs_layout_passes=False, use_tc_tiling_on_sc=False),
    out_type=jax.ShapeDtypeStruct((M * C * F,), jnp.float32),
    scratch_types=[
        pltpu.VMEM((FP,), jnp.float32),
        pltpu.VMEM((GC * L,), jnp.int32),
        pltpu.VMEM((GC * L,), jnp.int32),
        pltpu.VMEM((GC * L,), jnp.int32),
        pltpu.VMEM((GC * L,), jnp.int32),
        pltpu.VMEM((GC * L,), jnp.int32),
        pltpu.VMEM((GC * L,), jnp.int32),
        pltpu.VMEM((FC,), jnp.float32),
        pltpu.VMEM((FC,), jnp.float32),
        pltpu.SemaphoreType.DMA,
        pltpu.SemaphoreType.DMA,
        pltpu.SemaphoreType.DMA,
        pltpu.SemaphoreType.DMA,
    ],
)(_sc_body)


def kernel(fea, ring_n):
    ring_p = jnp.pad(ring_n, ((0, 0), (0, FP - F), (0, 0)))
    packed = ring_p[:, 0::2, :] | (ring_p[:, 1::2, :] << 16)
    packed = jnp.transpose(packed, (0, 2, 1))
    return _sc_pool(fea.reshape(-1), packed).reshape(M, C, F)

# --- scband reference (transcript-rebuilt; emitter-appended) ---
"""Pipeline reference for scband-max-pool-face-feature-43748536877374 (READ-ONLY COPY).

The authoritative reference and input builder live on the scoring server;
editing this copy changes nothing except your own understanding.
"""

import jax, jax.numpy as jnp
import numpy as np


def setup_inputs(seed: int = 0) -> dict:
    key = jax.random.key(seed)
    k1, k2 = jax.random.split(key)
    fea = jax.random.normal(k1, (4, 128, 50000), dtype=jnp.float32)
    ring_n = jax.random.randint(k2, (4, 50000, 3), 0, 50000, dtype=jnp.int32)
    return {"fea": fea, "ring_n": ring_n}


def reference(fea, ring_n):
    # fea: [num_meshes, in_channel, num_faces]
    # ring_n: [num_meshes, num_faces, num_neighbor]
    M, C, F = fea.shape
    K = ring_n.shape[-1]
    # neighbor_fea[m, c, f, k] = fea[m, c, ring_n[m, f, k]]
    idx = jnp.broadcast_to(ring_n[:, None, :, :], (M, C, F, K)).reshape(M, C, F * K)
    neighbor_fea = jnp.take_along_axis(fea, idx, axis=2).reshape(M, C, F, K)
    # concat self feature with neighbor features along last dim, then max
    all_fea = jnp.concatenate([fea[:, :, :, None], neighbor_fea], axis=3)
    max_fea = jnp.max(all_fea, axis=3)
    return max_fea

if __name__ == "__main__":
    import jax
    _d = setup_inputs()
    print(jax.jit(kernel)(*tuple(_d.values())))

</pallas_src>

<mosaic_0001>
#map = affine_map<(d0, d1) -> (0)>
#map1 = affine_map<(d0, d1) -> (0, 0, 0)>
module attributes {stable_mosaic.version = 14 : i64} {
  func.func @_sc_body(%arg0: i32, %arg1: i32, %arg2: memref<25600000xf32, #tpu.memory_space<hbm>>, %arg3: memref<4x3x25024xi32, #tpu.memory_space<hbm>>, %arg4: memref<25600000xf32, #tpu.memory_space<hbm>>, %arg5: memref<50048xf32, #tpu.memory_space<vmem>>, %arg6: memref<6256xi32, #tpu.memory_space<vmem>>, %arg7: memref<6256xi32, #tpu.memory_space<vmem>>, %arg8: memref<6256xi32, #tpu.memory_space<vmem>>, %arg9: memref<6256xi32, #tpu.memory_space<vmem>>, %arg10: memref<6256xi32, #tpu.memory_space<vmem>>, %arg11: memref<6256xi32, #tpu.memory_space<vmem>>, %arg12: memref<12512xf32, #tpu.memory_space<vmem>>, %arg13: memref<12512xf32, #tpu.memory_space<vmem>>, %arg14: memref<!tpu.dma_semaphore, #tpu.memory_space<semaphore_mem>>, %arg15: memref<!tpu.dma_semaphore, #tpu.memory_space<semaphore_mem>>, %arg16: memref<!tpu.dma_semaphore, #tpu.memory_space<semaphore_mem>>, %arg17: memref<!tpu.dma_semaphore, #tpu.memory_space<semaphore_mem>>) attributes {dimension_semantics = [#tpu.dimension_semantics<core_parallel>, #tpu.dimension_semantics<subcore_parallel>], iteration_bounds = array<i64: 2, 16>, scalar_prefetch = 0 : i64, scratch_operands = 13 : i64, tpu.core_type = #tpu.core_type<sc_vector_subcore>, window_params = [{transform_indices = #map}, {transform_indices = #map1}, {transform_indices = #map}]} {
    %mul3A = arith.constant 16 : i32
    %mul3A_0 = arith.muli %arg0, %mul3A : i32
    %add3A = arith.addi %mul3A_0, %arg1 : i32
    %jit3A = arith.constant 8 : i32
    %div3A = arith.divsi %add3A, %jit3A : i32
    %sign3A = arith.constant 0 : i32
    %sign3A_1 = arith.cmpi sgt, %add3A, %sign3A : i32
    %sign3A_2 = arith.extui %sign3A_1 : i1 to i32
    %sign3A_3 = arith.constant 0 : i32
    %sign3A_4 = arith.cmpi slt, %add3A, %sign3A_3 : i32
    %sign3A_5 = arith.extui %sign3A_4 : i1 to i32
    %sign3A_6 = arith.subi %sign3A_2, %sign3A_5 : i32
    %sign3A_7 = arith.constant 0 : i32
    %sign3A_8 = arith.cmpi sgt, %jit3A, %sign3A_7 : i32
    %sign3A_9 = arith.extui %sign3A_8 : i1 to i32
    %sign3A_10 = arith.constant 0 : i32
    %sign3A_11 = arith.cmpi slt, %jit3A, %sign3A_10 : i32
    %sign3A_12 = arith.extui %sign3A_11 : i1 to i32
    %sign3A_13 = arith.subi %sign3A_9, %sign3A_12 : i32
    %ne3A = arith.cmpi ne, %sign3A_6, %sign3A_13 : i32
    %rem3A = arith.remsi %add3A, %jit3A : i32
    %ne3A_14 = arith.constant 0 : i32
    %ne3A_15 = arith.cmpi ne, %rem3A, %ne3A_14 : i32
    %and3A = arith.andi %ne3A, %ne3A_15 : i1
    %sub3A = arith.constant 1 : i32
    %sub3A_16 = arith.subi %div3A, %sub3A : i32
    %select_n3A = arith.select %and3A, %sub3A_16, %div3A : i32
    %jit3A_17 = arith.constant 8 : i32
    %eq3A = arith.constant 0 : i32
    %eq3A_18 = arith.cmpi eq, %jit3A_17, %eq3A : i32
    %jit3A_19 = arith.constant 1 : i32
    %select_n3A_20 = arith.select %eq3A_18, %jit3A_19, %jit3A_17 : i32
    %rem3A_21 = arith.remsi %add3A, %select_n3A_20 : i32
    %ne3A_22 = arith.constant 0 : i32
    %ne3A_23 = arith.cmpi ne, %rem3A_21, %ne3A_22 : i32
    %lt3A = arith.constant 0 : i32
    %lt3A_24 = arith.cmpi slt, %rem3A_21, %lt3A : i32
    %lt3A_25 = arith.constant 0 : i32
    %lt3A_26 = arith.cmpi slt, %select_n3A_20, %lt3A_25 : i32
    %ne3A_27 = arith.xori %lt3A_24, %lt3A_26 : i1
    %and3A_28 = arith.andi %ne3A_27, %ne3A_23 : i1
    %add3A_29 = arith.addi %rem3A_21, %select_n3A_20 : i32
    %select_n3A_30 = arith.select %and3A_28, %add3A_29, %rem3A_21 : i32
    %mul3A_31 = arith.constant 16 : i32
    %mul3A_32 = arith.muli %select_n3A_30, %mul3A_31 : i32
    %iota3A = tpu.iota {dimensions = array<i32: 0>} : vector<16xi32>
    %mul3A_33 = arith.constant 2 : i32
    %mul3A_34 = vector.broadcast %mul3A_33 : i32 to vector<16xi32>
    %mul3A_35 = arith.muli %iota3A, %mul3A_34 : vector<16xi32>
    %scan3A = arith.constant 0 : i32
    %scan3A_36 = arith.constant 0 : i32
    %scan3A_37 = arith.constant 16 : i32
    %scan3A_38 = arith.addi %scan3A_36, %scan3A_37 : i32
    %scan3A_39 = arith.constant 1 : i32
    scf.for %scan3A_41 = %scan3A_36 to %scan3A_38 step %scan3A_39  : i32 {
      %mul3A_42 = arith.constant 128 : i32
      %mul3A_43 = arith.muli %select_n3A, %mul3A_42 : i32
      %add3A_44 = arith.addi %mul3A_43, %mul3A_32 : i32
      %add3A_45 = arith.addi %add3A_44, %scan3A_41 : i32
      %mul3A_46 = arith.constant 50000 : i32
      %mul3A_47 = arith.muli %add3A_45, %mul3A_46 : i32
      "tpu.region"() ({
        %run_scoped3A = tpu.sem_alloc : memref<!tpu.dma_semaphore, #tpu.memory_space<semaphore_mem>>
        %dma_start3A_289 = arith.constant 0 : i32
        %dma_start3A_290 = tpu.memref_slice %arg5[%dma_start3A_289] : memref<50048xf32, #tpu.memory_space<vmem>> -> memref<50000xf32, #tpu.memory_space<vmem>>
        %dma_start3A_291 = tpu.memref_slice %arg2[%mul3A_47] : memref<25600000xf32, #tpu.memory_space<hbm>> -> memref<50000xf32, #tpu.memory_space<hbm>>
        %dma_start3A_292 = arith.constant 0 : i32
        %dma_start3A_293 = tpu.memref_slice %arg5[%dma_start3A_292] : memref<50048xf32, #tpu.memory_space<vmem>> -> memref<50000xf32, #tpu.memory_space<vmem>>
        %dma_start3A_294 = tpu.memref_slice %arg2[%mul3A_47] : memref<25600000xf32, #tpu.memory_space<hbm>> -> memref<50000xf32, #tpu.memory_space<hbm>>
        tpu.enqueue_dma source(%dma_start3A_294 : memref<50000xf32, #tpu.memory_space<hbm>>) target(%dma_start3A_293 : memref<50000xf32, #tpu.memory_space<vmem>>) target_semaphore(%run_scoped3A : memref<!tpu.dma_semaphore, #tpu.memory_space<semaphore_mem>>)
        %dma_wait3A_295 = arith.constant 0 : i32
        %dma_wait3A_296 = tpu.memref_slice %arg5[%dma_wait3A_295] : memref<50048xf32, #tpu.memory_space<vmem>> -> memref<50000xf32, #tpu.memory_space<vmem>>
        %dma_wait3A_297 = tpu.memref_slice %arg2[%mul3A_47] : memref<25600000xf32, #tpu.memory_space<hbm>> -> memref<50000xf32, #tpu.memory_space<hbm>>
        %dma_wait3A_298 = arith.constant 0 : i32
        %dma_wait3A_299 = tpu.memref_slice %arg5[%dma_wait3A_298] : memref<50048xf32, #tpu.memory_space<vmem>> -> memref<50000xf32, #tpu.memory_space<vmem>>
        %dma_wait3A_300 = tpu.memref_slice %arg2[%mul3A_47] : memref<25600000xf32, #tpu.memory_space<hbm>> -> memref<50000xf32, #tpu.memory_space<hbm>>
        tpu.wait_dma2 semaphore(%run_scoped3A : memref<!tpu.dma_semaphore, #tpu.memory_space<semaphore_mem>>) src(%dma_wait3A_300 : memref<50000xf32, #tpu.memory_space<hbm>>) dst(%dma_wait3A_299 : memref<50000xf32, #tpu.memory_space<vmem>>)
        tpu.yield
      }) : () -> ()
      %dma_start3A = arith.constant 0 : i32
      %dma_start3A_48 = arith.constant 0 : i32
      %dma_start3A_49 = tpu.memref_slice %arg3[%select_n3A, %dma_start3A, %dma_start3A_48] : memref<4x3x25024xi32, #tpu.memory_space<hbm>> -> memref<1x1x6256xi32, #tpu.memory_space<hbm>>
      %dma_start3A_50 = tpu.memref_squeeze %dma_start3A_49 : memref<1x1x6256xi32, #tpu.memory_space<hbm>> -> memref<6256xi32, #tpu.memory_space<hbm>>
      %dma_start3A_51 = arith.constant 0 : i32
      %dma_start3A_52 = tpu.memref_slice %arg3[%select_n3A, %dma_start3A, %dma_start3A_51] : memref<4x3x25024xi32, #tpu.memory_space<hbm>> -> memref<1x1x6256xi32, #tpu.memory_space<hbm>>
      %dma_start3A_53 = tpu.memref_squeeze %dma_start3A_52 : memref<1x1x6256xi32, #tpu.memory_space<hbm>> -> memref<6256xi32, #tpu.memory_space<hbm>>
      tpu.enqueue_dma source(%dma_start3A_53 : memref<6256xi32, #tpu.memory_space<hbm>>) target(%arg6 : memref<6256xi32, #tpu.memory_space<vmem>>) target_semaphore(%arg14 : memref<!tpu.dma_semaphore, #tpu.memory_space<semaphore_mem>>)
      %dma_start3A_54 = arith.constant 1 : i32
      %dma_start3A_55 = arith.constant 0 : i32
      %dma_start3A_56 = tpu.memref_slice %arg3[%select_n3A, %dma_start3A_54, %dma_start3A_55] : memref<4x3x25024xi32, #tpu.memory_space<hbm>> -> memref<1x1x6256xi32, #tpu.memory_space<hbm>>
      %dma_start3A_57 = tpu.memref_squeeze %dma_start3A_56 : memref<1x1x6256xi32, #tpu.memory_space<hbm>> -> memref<6256xi32, #tpu.memory_space<hbm>>
      %dma_start3A_58 = arith.constant 0 : i32
      %dma_start3A_59 = tpu.memref_slice %arg3[%select_n3A, %dma_start3A_54, %dma_start3A_58] : memref<4x3x25024xi32, #tpu.memory_space<hbm>> -> memref<1x1x6256xi32, #tpu.memory_space<hbm>>
      %dma_start3A_60 = tpu.memref_squeeze %dma_start3A_59 : memref<1x1x6256xi32, #tpu.memory_space<hbm>> -> memref<6256xi32, #tpu.memory_space<hbm>>
      tpu.enqueue_dma source(%dma_start3A_60 : memref<6256xi32, #tpu.memory_space<hbm>>) target(%arg7 : memref<6256xi32, #tpu.memory_space<vmem>>) target_semaphore(%arg14 : memref<!tpu.dma_semaphore, #tpu.memory_space<semaphore_mem>>)
      %dma_start3A_61 = arith.constant 2 : i32
      %dma_start3A_62 = arith.constant 0 : i32
      %dma_start3A_63 = tpu.memref_slice %arg3[%select_n3A, %dma_start3A_61, %dma_start3A_62] : memref<4x3x25024xi32, #tpu.memory_space<hbm>> -> memref<1x1x6256xi32, #tpu.memory_space<hbm>>
      %dma_start3A_64 = tpu.memref_squeeze %dma_start3A_63 : memref<1x1x6256xi32, #tpu.memory_space<hbm>> -> memref<6256xi32, #tpu.memory_space<hbm>>
      %dma_start3A_65 = arith.constant 0 : i32
      %dma_start3A_66 = tpu.memref_slice %arg3[%select_n3A, %dma_start3A_61, %dma_start3A_65] : memref<4x3x25024xi32, #tpu.memory_space<hbm>> -> memref<1x1x6256xi32, #tpu.memory_space<hbm>>
      %dma_start3A_67 = tpu.memref_squeeze %dma_start3A_66 : memref<1x1x6256xi32, #tpu.memory_space<hbm>> -> memref<6256xi32, #tpu.memory_space<hbm>>
      tpu.enqueue_dma source(%dma_start3A_67 : memref<6256xi32, #tpu.memory_space<hbm>>) target(%arg8 : memref<6256xi32, #tpu.memory_space<vmem>>) target_semaphore(%arg14 : memref<!tpu.dma_semaphore, #tpu.memory_space<semaphore_mem>>)
      %dma_start3A_68 = arith.constant 0 : i32
      %dma_start3A_69 = arith.constant 6256 : i32
      %dma_start3A_70 = tpu.memref_slice %arg3[%select_n3A, %dma_start3A_68, %dma_start3A_69] : memref<4x3x25024xi32, #tpu.memory_space<hbm>> -> memref<1x1x6256xi32, #tpu.memory_space<hbm>>
      %dma_start3A_71 = tpu.memref_squeeze %dma_start3A_70 : memref<1x1x6256xi32, #tpu.memory_space<hbm>> -> memref<6256xi32, #tpu.memory_space<hbm>>
      %dma_start3A_72 = arith.constant 6256 : i32
      %dma_start3A_73 = tpu.memref_slice %arg3[%select_n3A, %dma_start3A_68, %dma_start3A_72] : memref<4x3x25024xi32, #tpu.memory_space<hbm>> -> memref<1x1x6256xi32, #tpu.memory_space<hbm>>
      %dma_start3A_74 = tpu.memref_squeeze %dma_start3A_73 : memref<1x1x6256xi32, #tpu.memory_space<hbm>> -> memref<6256xi32, #tpu.memory_space<hbm>>
      tpu.enqueue_dma source(%dma_start3A_74 : memref<6256xi32, #tpu.memory_space<hbm>>) target(%arg9 : memref<6256xi32, #tpu.memory_space<vmem>>) target_semaphore(%arg15 : memref<!tpu.dma_semaphore, #tpu.memory_space<semaphore_mem>>)
      %dma_start3A_75 = arith.constant 1 : i32
      %dma_start3A_76 = arith.constant 6256 : i32
      %dma_start3A_77 = tpu.memref_slice %arg3[%select_n3A, %dma_start3A_75, %dma_start3A_76] : memref<4x3x25024xi32, #tpu.memory_space<hbm>> -> memref<1x1x6256xi32, #tpu.memory_space<hbm>>
      %dma_start3A_78 = tpu.memref_squeeze %dma_start3A_77 : memref<1x1x6256xi32, #tpu.memory_space<hbm>> -> memref<6256xi32, #tpu.memory_space<hbm>>
      %dma_start3A_79 = arith.constant 6256 : i32
      %dma_start3A_80 = tpu.memref_slice %arg3[%select_n3A, %dma_start3A_75, %dma_start3A_79] : memref<4x3x25024xi32, #tpu.memory_space<hbm>> -> memref<1x1x6256xi32, #tpu.memory_space<hbm>>
      %dma_start3A_81 = tpu.memref_squeeze %dma_start3A_80 : memref<1x1x6256xi32, #tpu.memory_space<hbm>> -> memref<6256xi32, #tpu.memory_space<hbm>>
      tpu.enqueue_dma source(%dma_start3A_81 : memref<6256xi32, #tpu.memory_space<hbm>>) target(%arg10 : memref<6256xi32, #tpu.memory_space<vmem>>) target_semaphore(%arg15 : memref<!tpu.dma_semaphore, #tpu.memory_space<semaphore_mem>>)
      %dma_start3A_82 = arith.constant 2 : i32
      %dma_start3A_83 = arith.constant 6256 : i32
      %dma_start3A_84 = tpu.memref_slice %arg3[%select_n3A, %dma_start3A_82, %dma_start3A_83] : memref<4x3x25024xi32, #tpu.memory_space<hbm>> -> memref<1x1x6256xi32, #tpu.memory_space<hbm>>
      %dma_start3A_85 = tpu.memref_squeeze %dma_start3A_84 : memref<1x1x6256xi32, #tpu.memory_space<hbm>> -> memref<6256xi32, #tpu.memory_space<hbm>>
      %dma_start3A_86 = arith.constant 6256 : i32
      %dma_start3A_87 = tpu.memref_slice %arg3[%select_n3A, %dma_start3A_82, %dma_start3A_86] : memref<4x3x25024xi32, #tpu.memory_space<hbm>> -> memref<1x1x6256xi32, #tpu.memory_space<hbm>>
      %dma_start3A_88 = tpu.memref_squeeze %dma_start3A_87 : memref<1x1x6256xi32, #tpu.memory_space<hbm>> -> memref<6256xi32, #tpu.memory_space<hbm>>
      tpu.enqueue_dma source(%dma_start3A_88 : memref<6256xi32, #tpu.memory_space<hbm>>) target(%arg11 : memref<6256xi32, #tpu.memory_space<vmem>>) target_semaphore(%arg15 : memref<!tpu.dma_semaphore, #tpu.memory_space<semaphore_mem>>)
      %dma_wait3A = arith.constant 0 : i32
      %dma_wait3A_89 = arith.constant 0 : i32
      %dma_wait3A_90 = tpu.memref_slice %arg3[%select_n3A, %dma_wait3A, %dma_wait3A_89] : memref<4x3x25024xi32, #tpu.memory_space<hbm>> -> memref<1x1x6256xi32, #tpu.memory_space<hbm>>
      %dma_wait3A_91 = tpu.memref_squeeze %dma_wait3A_90 : memref<1x1x6256xi32, #tpu.memory_space<hbm>> -> memref<6256xi32, #tpu.memory_space<hbm>>
      %dma_wait3A_92 = arith.constant 0 : i32
      %dma_wait3A_93 = tpu.memref_slice %arg3[%select_n3A, %dma_wait3A, %dma_wait3A_92] : memref<4x3x25024xi32, #tpu.memory_space<hbm>> -> memref<1x1x6256xi32, #tpu.memory_space<hbm>>
      %dma_wait3A_94 = tpu.memref_squeeze %dma_wait3A_93 : memref<1x1x6256xi32, #tpu.memory_space<hbm>> -> memref<6256xi32, #tpu.memory_space<hbm>>
      tpu.wait_dma2 semaphore(%arg14 : memref<!tpu.dma_semaphore, #tpu.memory_space<semaphore_mem>>) src(%dma_wait3A_94 : memref<6256xi32, #tpu.memory_space<hbm>>) dst(%arg6 : memref<6256xi32, #tpu.memory_space<vmem>>)
      %dma_wait3A_95 = arith.constant 1 : i32
      %dma_wait3A_96 = arith.constant 0 : i32
      %dma_wait3A_97 = tpu.memref_slice %arg3[%select_n3A, %dma_wait3A_95, %dma_wait3A_96] : memref<4x3x25024xi32, #tpu.memory_space<hbm>> -> memref<1x1x6256xi32, #tpu.memory_space<hbm>>
      %dma_wait3A_98 = tpu.memref_squeeze %dma_wait3A_97 : memref<1x1x6256xi32, #tpu.memory_space<hbm>> -> memref<6256xi32, #tpu.memory_space<hbm>>
      %dma_wait3A_99 = arith.constant 0 : i32
      %dma_wait3A_100 = tpu.memref_slice %arg3[%select_n3A, %dma_wait3A_95, %dma_wait3A_99] : memref<4x3x25024xi32, #tpu.memory_space<hbm>> -> memref<1x1x6256xi32, #tpu.memory_space<hbm>>
      %dma_wait3A_101 = tpu.memref_squeeze %dma_wait3A_100 : memref<1x1x6256xi32, #tpu.memory_space<hbm>> -> memref<6256xi32, #tpu.memory_space<hbm>>
      tpu.wait_dma2 semaphore(%arg14 : memref<!tpu.dma_semaphore, #tpu.memory_space<semaphore_mem>>) src(%dma_wait3A_101 : memref<6256xi32, #tpu.memory_space<hbm>>) dst(%arg7 : memref<6256xi32, #tpu.memory_space<vmem>>)
      %dma_wait3A_102 = arith.constant 2 : i32
      %dma_wait3A_103 = arith.constant 0 : i32
      %dma_wait3A_104 = tpu.memref_slice %arg3[%select_n3A, %dma_wait3A_102, %dma_wait3A_103] : memref<4x3x25024xi32, #tpu.memory_space<hbm>> -> memref<1x1x6256xi32, #tpu.memory_space<hbm>>
      %dma_wait3A_105 = tpu.memref_squeeze %dma_wait3A_104 : memref<1x1x6256xi32, #tpu.memory_space<hbm>> -> memref<6256xi32, #tpu.memory_space<hbm>>
      %dma_wait3A_106 = arith.constant 0 : i32
      %dma_wait3A_107 = tpu.memref_slice %arg3[%select_n3A, %dma_wait3A_102, %dma_wait3A_106] : memref<4x3x25024xi32, #tpu.memory_space<hbm>> -> memref<1x1x6256xi32, #tpu.memory_space<hbm>>
      %dma_wait3A_108 = tpu.memref_squeeze %dma_wait3A_107 : memref<1x1x6256xi32, #tpu.memory_space<hbm>> -> memref<6256xi32, #tpu.memory_space<hbm>>
      tpu.wait_dma2 semaphore(%arg14 : memref<!tpu.dma_semaphore, #tpu.memory_space<semaphore_mem>>) src(%dma_wait3A_108 : memref<6256xi32, #tpu.memory_space<hbm>>) dst(%arg8 : memref<6256xi32, #tpu.memory_space<vmem>>)
      %parallel_loop3A = arith.constant 0 : i32
      %parallel_loop3A_109 = arith.constant 391 : i32
      %parallel_loop3A_110 = arith.constant 1 : i32
      scf.for %parallel_loop3A_289 = %parallel_loop3A to %parallel_loop3A_109 step %parallel_loop3A_110  : i32 {
        %parallel_loop3A_290 = arith.constant 16 : i32
        %parallel_loop3A_291 = arith.muli %parallel_loop3A_289, %parallel_loop3A_290 : i32
        %parallel_loop3A_292 = arith.index_cast %parallel_loop3A_291 : i32 to index
        %parallel_loop3A_293 = tpu.vector_load %arg6[%parallel_loop3A_292] {strides = array<i32>} : memref<6256xi32, #tpu.memory_space<vmem>>, vector<16xi32>,
        %parallel_loop3A_294 = arith.constant 16 : i32
        %parallel_loop3A_295 = arith.muli %parallel_loop3A_289, %parallel_loop3A_294 : i32
        %parallel_loop3A_296 = arith.index_cast %parallel_loop3A_295 : i32 to index
        %parallel_loop3A_297 = tpu.vector_load %arg7[%parallel_loop3A_296] {strides = array<i32>} : memref<6256xi32, #tpu.memory_space<vmem>>, vector<16xi32>,
        %parallel_loop3A_298 = arith.constant 16 : i32
        %parallel_loop3A_299 = arith.muli %parallel_loop3A_289, %parallel_loop3A_298 : i32
        %parallel_loop3A_300 = arith.index_cast %parallel_loop3A_299 : i32 to index
        %parallel_loop3A_301 = tpu.vector_load %arg8[%parallel_loop3A_300] {strides = array<i32>} : memref<6256xi32, #tpu.memory_space<vmem>>, vector<16xi32>,
        %parallel_loop3A_302 = arith.constant 65535 : i32
        %parallel_loop3A_303 = vector.broadcast %parallel_loop3A_302 : i32 to vector<16xi32>
        %parallel_loop3A_304 = arith.andi %parallel_loop3A_293, %parallel_loop3A_303 : vector<16xi32>
        %parallel_loop3A_305 = arith.constant 65535 : i32
        %parallel_loop3A_306 = vector.broadcast %parallel_loop3A_305 : i32 to vector<16xi32>
        %parallel_loop3A_307 = arith.andi %parallel_loop3A_297, %parallel_loop3A_306 : vector<16xi32>
        %parallel_loop3A_308 = arith.constant 65535 : i32
        %parallel_loop3A_309 = vector.broadcast %parallel_loop3A_308 : i32 to vector<16xi32>
        %parallel_loop3A_310 = arith.andi %parallel_loop3A_301, %parallel_loop3A_309 : vector<16xi32>
        %parallel_loop3A_311 = arith.constant 16 : i32
        %parallel_loop3A_312 = vector.broadcast %parallel_loop3A_311 : i32 to vector<16xi32>
        %parallel_loop3A_313 = arith.shrui %parallel_loop3A_293, %parallel_loop3A_312 : vector<16xi32>
        %parallel_loop3A_314 = arith.constant 16 : i32
        %parallel_loop3A_315 = vector.broadcast %parallel_loop3A_314 : i32 to vector<16xi32>
        %parallel_loop3A_316 = arith.shrui %parallel_loop3A_297, %parallel_loop3A_315 : vector<16xi32>
        %parallel_loop3A_317 = arith.constant 16 : i32
        %parallel_loop3A_318 = vector.broadcast %parallel_loop3A_317 : i32 to vector<16xi32>
        %parallel_loop3A_319 = arith.shrui %parallel_loop3A_301, %parallel_loop3A_318 : vector<16xi32>
        %parallel_loop3A_320 = arith.constant 2 : i32
        %parallel_loop3A_321 = arith.muli %parallel_loop3A_289, %parallel_loop3A_320 : i32
        %parallel_loop3A_322 = arith.constant 16 : i32
        %parallel_loop3A_323 = arith.muli %parallel_loop3A_321, %parallel_loop3A_322 : i32
        %parallel_loop3A_324 = arith.constant 0 : i32
        %parallel_loop3A_325 = arith.addi %parallel_loop3A_324, %parallel_loop3A_323 : i32
        %parallel_loop3A_326 = vector.broadcast %parallel_loop3A_325 : i32 to vector<16xi32>
        %parallel_loop3A_327 = arith.addi %mul3A_35, %parallel_loop3A_326 : vector<16xi32>
        %parallel_loop3A_328 = arith.constant 1 : i32
        %parallel_loop3A_329 = vector.broadcast %parallel_loop3A_328 : i32 to vector<16xi32>
        %parallel_loop3A_330 = arith.addi %parallel_loop3A_327, %parallel_loop3A_329 : vector<16xi32>
        %parallel_loop3A_331 = tpu.vector_load_idx %arg5[%parallel_loop3A_327] : memref<50048xf32, #tpu.memory_space<vmem>>[vector<16xi32>], vector<16xf32>,
        %parallel_loop3A_332 = tpu.vector_load_idx %arg5[%parallel_loop3A_330] : memref<50048xf32, #tpu.memory_space<vmem>>[vector<16xi32>], vector<16xf32>,
        %parallel_loop3A_333 = tpu.vector_load_idx %arg5[%parallel_loop3A_304] : memref<50048xf32, #tpu.memory_space<vmem>>[vector<16xi32>], vector<16xf32>,
        %parallel_loop3A_334 = tpu.vector_load_idx %arg5[%parallel_loop3A_307] : memref<50048xf32, #tpu.memory_space<vmem>>[vector<16xi32>], vector<16xf32>,
        %parallel_loop3A_335 = tpu.vector_load_idx %arg5[%parallel_loop3A_310] : memref<50048xf32, #tpu.memory_space<vmem>>[vector<16xi32>], vector<16xf32>,
        %parallel_loop3A_336 = tpu.vector_load_idx %arg5[%parallel_loop3A_313] : memref<50048xf32, #tpu.memory_space<vmem>>[vector<16xi32>], vector<16xf32>,
        %parallel_loop3A_337 = tpu.vector_load_idx %arg5[%parallel_loop3A_316] : memref<50048xf32, #tpu.memory_space<vmem>>[vector<16xi32>], vector<16xf32>,
        %parallel_loop3A_338 = tpu.vector_load_idx %arg5[%parallel_loop3A_319] : memref<50048xf32, #tpu.memory_space<vmem>>[vector<16xi32>], vector<16xf32>,
        %parallel_loop3A_339 = arith.constant 2 : i32
        %parallel_loop3A_340 = arith.muli %parallel_loop3A_289, %parallel_loop3A_339 : i32
        %parallel_loop3A_341 = arith.constant 16 : i32
        %parallel_loop3A_342 = arith.muli %parallel_loop3A_340, %parallel_loop3A_341 : i32
        %parallel_loop3A_343 = vector.broadcast %parallel_loop3A_342 : i32 to vector<16xi32>
        %parallel_loop3A_344 = arith.addi %mul3A_35, %parallel_loop3A_343 : vector<16xi32>
        %parallel_loop3A_345 = arith.maximumf %parallel_loop3A_331, %parallel_loop3A_333 : vector<16xf32>
        %parallel_loop3A_346 = arith.maximumf %parallel_loop3A_334, %parallel_loop3A_335 : vector<16xf32>
        %parallel_loop3A_347 = arith.maximumf %parallel_loop3A_345, %parallel_loop3A_346 : vector<16xf32>
        tpu.vector_store_idx %arg12[%parallel_loop3A_344], %parallel_loop3A_347 : memref<12512xf32, #tpu.memory_space<vmem>>[vector<16xi32>], vector<16xf32>,
        %parallel_loop3A_348 = arith.constant 1 : i32
        %parallel_loop3A_349 = vector.broadcast %parallel_loop3A_348 : i32 to vector<16xi32>
        %parallel_loop3A_350 = arith.addi %parallel_loop3A_344, %parallel_loop3A_349 : vector<16xi32>
        %parallel_loop3A_351 = arith.maximumf %parallel_loop3A_332, %parallel_loop3A_336 : vector<16xf32>
        %parallel_loop3A_352 = arith.maximumf %parallel_loop3A_337, %parallel_loop3A_338 : vector<16xf32>
        %parallel_loop3A_353 = arith.maximumf %parallel_loop3A_351, %parallel_loop3A_352 : vector<16xf32>
        tpu.vector_store_idx %arg12[%parallel_loop3A_350], %parallel_loop3A_353 : memref<12512xf32, #tpu.memory_space<vmem>>[vector<16xi32>], vector<16xf32>,
      } {sc.loop_unroll_factor = 4 : i64, sc.parallel_access}
      %mul3A_111 = arith.constant 50000 : i32
      %mul3A_112 = arith.muli %add3A_45, %mul3A_111 : i32
      %add3A_113 = arith.constant 0 : i32
      %add3A_114 = arith.addi %mul3A_112, %add3A_113 : i32
      %dma_start3A_115 = arith.constant 0 : i32
      %dma_start3A_116 = tpu.memref_slice %arg12[%dma_start3A_115] : memref<12512xf32, #tpu.memory_space<vmem>> -> memref<12512xf32, #tpu.memory_space<vmem>>
      %dma_start3A_117 = tpu.memref_slice %arg4[%add3A_114] : memref<25600000xf32, #tpu.memory_space<hbm>> -> memref<12512xf32, #tpu.memory_space<hbm>>
      %dma_start3A_118 = tpu.memref_slice %arg4[%add3A_114] : memref<25600000xf32, #tpu.memory_space<hbm>> -> memref<12512xf32, #tpu.memory_space<hbm>>
      %dma_start3A_119 = arith.constant 0 : i32
      %dma_start3A_120 = tpu.memref_slice %arg12[%dma_start3A_119] : memref<12512xf32, #tpu.memory_space<vmem>> -> memref<12512xf32, #tpu.memory_space<vmem>>
      tpu.enqueue_dma source(%dma_start3A_120 : memref<12512xf32, #tpu.memory_space<vmem>>) target(%dma_start3A_118 : memref<12512xf32, #tpu.memory_space<hbm>>) target_semaphore(%arg16 : memref<!tpu.dma_semaphore, #tpu.memory_space<semaphore_mem>>)
      %dma_start3A_121 = arith.constant 0 : i32
      %dma_start3A_122 = arith.constant 12512 : i32
      %dma_start3A_123 = tpu.memref_slice %arg3[%select_n3A, %dma_start3A_121, %dma_start3A_122] : memref<4x3x25024xi32, #tpu.memory_space<hbm>> -> memref<1x1x6256xi32, #tpu.memory_space<hbm>>
      %dma_start3A_124 = tpu.memref_squeeze %dma_start3A_123 : memref<1x1x6256xi32, #tpu.memory_space<hbm>> -> memref<6256xi32, #tpu.memory_space<hbm>>
      %dma_start3A_125 = arith.constant 12512 : i32
      %dma_start3A_126 = tpu.memref_slice %arg3[%select_n3A, %dma_start3A_121, %dma_start3A_125] : memref<4x3x25024xi32, #tpu.memory_space<hbm>> -> memref<1x1x6256xi32, #tpu.memory_space<hbm>>
      %dma_start3A_127 = tpu.memref_squeeze %dma_start3A_126 : memref<1x1x6256xi32, #tpu.memory_space<hbm>> -> memref<6256xi32, #tpu.memory_space<hbm>>
      tpu.enqueue_dma source(%dma_start3A_127 : memref<6256xi32, #tpu.memory_space<hbm>>) target(%arg6 : memref<6256xi32, #tpu.memory_space<vmem>>) target_semaphore(%arg14 : memref<!tpu.dma_semaphore, #tpu.memory_space<semaphore_mem>>)
      %dma_start3A_128 = arith.constant 1 : i32
      %dma_start3A_129 = arith.constant 12512 : i32
      %dma_start3A_130 = tpu.memref_slice %arg3[%select_n3A, %dma_start3A_128, %dma_start3A_129] : memref<4x3x25024xi32, #tpu.memory_space<hbm>> -> memref<1x1x6256xi32, #tpu.memory_space<hbm>>
      %dma_start3A_131 = tpu.memref_squeeze %dma_start3A_130 : memref<1x1x6256xi32, #tpu.memory_space<hbm>> -> memref<6256xi32, #tpu.memory_space<hbm>>
      %dma_start3A_132 = arith.constant 12512 : i32
      %dma_start3A_133 = tpu.memref_slice %arg3[%select_n3A, %dma_start3A_128, %dma_start3A_132] : memref<4x3x25024xi32, #tpu.memory_space<hbm>> -> memref<1x1x6256xi32, #tpu.memory_space<hbm>>
      %dma_start3A_134 = tpu.memref_squeeze %dma_start3A_133 : memref<1x1x6256xi32, #tpu.memory_space<hbm>> -> memref<6256xi32, #tpu.memory_space<hbm>>
      tpu.enqueue_dma source(%dma_start3A_134 : memref<6256xi32, #tpu.memory_space<hbm>>) target(%arg7 : memref<6256xi32, #tpu.memory_space<vmem>>) target_semaphore(%arg14 : memref<!tpu.dma_semaphore, #tpu.memory_space<semaphore_mem>>)
      %dma_start3A_135 = arith.constant 2 : i32
      %dma_start3A_136 = arith.constant 12512 : i32
      %dma_start3A_137 = tpu.memref_slice %arg3[%select_n3A, %dma_start3A_135, %dma_start3A_136] : memref<4x3x25024xi32, #tpu.memory_space<hbm>> -> memref<1x1x6256xi32, #tpu.memory_space<hbm>>
      %dma_start3A_138 = tpu.memref_squeeze %dma_start3A_137 : memref<1x1x6256xi32, #tpu.memory_space<hbm>> -> memref<6256xi32, #tpu.memory_space<hbm>>
      %dma_start3A_139 = arith.constant 12512 : i32
      %dma_start3A_140 = tpu.memref_slice %arg3[%select_n3A, %dma_start3A_135, %dma_start3A_139] : memref<4x3x25024xi32, #tpu.memory_space<hbm>> -> memref<1x1x6256xi32, #tpu.memory_space<hbm>>
      %dma_start3A_141 = tpu.memref_squeeze %dma_start3A_140 : memref<1x1x6256xi32, #tpu.memory_space<hbm>> -> memref<6256xi32, #tpu.memory_space<hbm>>
      tpu.enqueue_dma source(%dma_start3A_141 : memref<6256xi32, #tpu.memory_space<hbm>>) target(%arg8 : memref<6256xi32, #tpu.memory_space<vmem>>) target_semaphore(%arg14 : memref<!tpu.dma_semaphore, #tpu.memory_space<semaphore_mem>>)
      %dma_wait3A_142 = arith.constant 0 : i32
      %dma_wait3A_143 = arith.constant 6256 : i32
      %dma_wait3A_144 = tpu.memref_slice %arg3[%select_n3A, %dma_wait3A_142, %dma_wait3A_143] : memref<4x3x25024xi32, #tpu.memory_space<hbm>> -> memref<1x1x6256xi32, #tpu.memory_space<hbm>>
      %dma_wait3A_145 = tpu.memref_squeeze %dma_wait3A_144 : memref<1x1x6256xi32, #tpu.memory_space<hbm>> -> memref<6256xi32, #tpu.memory_space<hbm>>
      %dma_wait3A_146 = arith.constant 6256 : i32
      %dma_wait3A_147 = tpu.memref_slice %arg3[%select_n3A, %dma_wait3A_142, %dma_wait3A_146] : memref<4x3x25024xi32, #tpu.memory_space<hbm>> -> memref<1x1x6256xi32, #tpu.memory_space<hbm>>
      %dma_wait3A_148 = tpu.memref_squeeze %dma_wait3A_147 : memref<1x1x6256xi32, #tpu.memory_space<hbm>> -> memref<6256xi32, #tpu.memory_space<hbm>>
      tpu.wait_dma2 semaphore(%arg15 : memref<!tpu.dma_semaphore, #tpu.memory_space<semaphore_mem>>) src(%dma_wait3A_148 : memref<6256xi32, #tpu.memory_space<hbm>>) dst(%arg9 : memref<6256xi32, #tpu.memory_space<vmem>>)
      %dma_wait3A_149 = arith.constant 1 : i32
      %dma_wait3A_150 = arith.constant 6256 : i32
      %dma_wait3A_151 = tpu.memref_slice %arg3[%select_n3A, %dma_wait3A_149, %dma_wait3A_150] : memref<4x3x25024xi32, #tpu.memory_space<hbm>> -> memref<1x1x6256xi32, #tpu.memory_space<hbm>>
      %dma_wait3A_152 = tpu.memref_squeeze %dma_wait3A_151 : memref<1x1x6256xi32, #tpu.memory_space<hbm>> -> memref<6256xi32, #tpu.memory_space<hbm>>
      %dma_wait3A_153 = arith.constant 6256 : i32
      %dma_wait3A_154 = tpu.memref_slice %arg3[%select_n3A, %dma_wait3A_149, %dma_wait3A_153] : memref<4x3x25024xi32, #tpu.memory_space<hbm>> -> memref<1x1x6256xi32, #tpu.memory_space<hbm>>
      %dma_wait3A_155 = tpu.memref_squeeze %dma_wait3A_154 : memref<1x1x6256xi32, #tpu.memory_space<hbm>> -> memref<6256xi32, #tpu.memory_space<hbm>>
      tpu.wait_dma2 semaphore(%arg15 : memref<!tpu.dma_semaphore, #tpu.memory_space<semaphore_mem>>) src(%dma_wait3A_155 : memref<6256xi32, #tpu.memory_space<hbm>>) dst(%arg10 : memref<6256xi32, #tpu.memory_space<vmem>>)
      %dma_wait3A_156 = arith.constant 2 : i32
      %dma_wait3A_157 = arith.constant 6256 : i32
      %dma_wait3A_158 = tpu.memref_slice %arg3[%select_n3A, %dma_wait3A_156, %dma_wait3A_157] : memref<4x3x25024xi32, #tpu.memory_space<hbm>> -> memref<1x1x6256xi32, #tpu.memory_space<hbm>>
      %dma_wait3A_159 = tpu.memref_squeeze %dma_wait3A_158 : memref<1x1x6256xi32, #tpu.memory_space<hbm>> -> memref<6256xi32, #tpu.memory_space<hbm>>
      %dma_wait3A_160 = arith.constant 6256 : i32
      %dma_wait3A_161 = tpu.memref_slice %arg3[%select_n3A, %dma_wait3A_156, %dma_wait3A_160] : memref<4x3x25024xi32, #tpu.memory_space<hbm>> -> memref<1x1x6256xi32, #tpu.memory_space<hbm>>
      %dma_wait3A_162 = tpu.memref_squeeze %dma_wait3A_161 : memref<1x1x6256xi32, #tpu.memory_space<hbm>> -> memref<6256xi32, #tpu.memory_space<hbm>>
      tpu.wait_dma2 semaphore(%arg15 : memref<!tpu.dma_semaphore, #tpu.memory_space<semaphore_mem>>) src(%dma_wait3A_162 : memref<6256xi32, #tpu.memory_space<hbm>>) dst(%arg11 : memref<6256xi32, #tpu.memory_space<vmem>>)
      %parallel_loop3A_163 = arith.constant 0 : i32
      %parallel_loop3A_164 = arith.constant 391 : i32
      %parallel_loop3A_165 = arith.constant 1 : i32
      scf.for %parallel_loop3A_289 = %parallel_loop3A_163 to %parallel_loop3A_164 step %parallel_loop3A_165  : i32 {
        %parallel_loop3A_290 = arith.constant 16 : i32
        %parallel_loop3A_291 = arith.muli %parallel_loop3A_289, %parallel_loop3A_290 : i32
        %parallel_loop3A_292 = arith.index_cast %parallel_loop3A_291 : i32 to index
        %parallel_loop3A_293 = tpu.vector_load %arg9[%parallel_loop3A_292] {strides = array<i32>} : memref<6256xi32, #tpu.memory_space<vmem>>, vector<16xi32>,
        %parallel_loop3A_294 = arith.constant 16 : i32
        %parallel_loop3A_295 = arith.muli %parallel_loop3A_289, %parallel_loop3A_294 : i32
        %parallel_loop3A_296 = arith.index_cast %parallel_loop3A_295 : i32 to index
        %parallel_loop3A_297 = tpu.vector_load %arg10[%parallel_loop3A_296] {strides = array<i32>} : memref<6256xi32, #tpu.memory_space<vmem>>, vector<16xi32>,
        %parallel_loop3A_298 = arith.constant 16 : i32
        %parallel_loop3A_299 = arith.muli %parallel_loop3A_289, %parallel_loop3A_298 : i32
        %parallel_loop3A_300 = arith.index_cast %parallel_loop3A_299 : i32 to index
        %parallel_loop3A_301 = tpu.vector_load %arg11[%parallel_loop3A_300] {strides = array<i32>} : memref<6256xi32, #tpu.memory_space<vmem>>, vector<16xi32>,
        %parallel_loop3A_302 = arith.constant 65535 : i32
        %parallel_loop3A_303 = vector.broadcast %parallel_loop3A_302 : i32 to vector<16xi32>
        %parallel_loop3A_304 = arith.andi %parallel_loop3A_293, %parallel_loop3A_303 : vector<16xi32>
        %parallel_loop3A_305 = arith.constant 65535 : i32
        %parallel_loop3A_306 = vector.broadcast %parallel_loop3A_305 : i32 to vector<16xi32>
        %parallel_loop3A_307 = arith.andi %parallel_loop3A_297, %parallel_loop3A_306 : vector<16xi32>
        %parallel_loop3A_308 = arith.constant 65535 : i32
        %parallel_loop3A_309 = vector.broadcast %parallel_loop3A_308 : i32 to vector<16xi32>
        %parallel_loop3A_310 = arith.andi %parallel_loop3A_301, %parallel_loop3A_309 : vector<16xi32>
        %parallel_loop3A_311 = arith.constant 16 : i32
        %parallel_loop3A_312 = vector.broadcast %parallel_loop3A_311 : i32 to vector<16xi32>
        %parallel_loop3A_313 = arith.shrui %parallel_loop3A_293, %parallel_loop3A_312 : vector<16xi32>
        %parallel_loop3A_314 = arith.constant 16 : i32
        %parallel_loop3A_315 = vector.broadcast %parallel_loop3A_314 : i32 to vector<16xi32>
        %parallel_loop3A_316 = arith.shrui %parallel_loop3A_297, %parallel_loop3A_315 : vector<16xi32>
        %parallel_loop3A_317 = arith.constant 16 : i32
        %parallel_loop3A_318 = vector.broadcast %parallel_loop3A_317 : i32 to vector<16xi32>
        %parallel_loop3A_319 = arith.shrui %parallel_loop3A_301, %parallel_loop3A_318 : vector<16xi32>
        %parallel_loop3A_320 = arith.constant 2 : i32
        %parallel_loop3A_321 = arith.muli %parallel_loop3A_289, %parallel_loop3A_320 : i32
        %parallel_loop3A_322 = arith.constant 16 : i32
        %parallel_loop3A_323 = arith.muli %parallel_loop3A_321, %parallel_loop3A_322 : i32
        %parallel_loop3A_324 = arith.constant 12512 : i32
        %parallel_loop3A_325 = arith.addi %parallel_loop3A_324, %parallel_loop3A_323 : i32
        %parallel_loop3A_326 = vector.broadcast %parallel_loop3A_325 : i32 to vector<16xi32>
        %parallel_loop3A_327 = arith.addi %mul3A_35, %parallel_loop3A_326 : vector<16xi32>
        %parallel_loop3A_328 = arith.constant 1 : i32
        %parallel_loop3A_329 = vector.broadcast %parallel_loop3A_328 : i32 to vector<16xi32>
        %parallel_loop3A_330 = arith.addi %parallel_loop3A_327, %parallel_loop3A_329 : vector<16xi32>
        %parallel_loop3A_331 = tpu.vector_load_idx %arg5[%parallel_loop3A_327] : memref<50048xf32, #tpu.memory_space<vmem>>[vector<16xi32>], vector<16xf32>,
        %parallel_loop3A_332 = tpu.vector_load_idx %arg5[%parallel_loop3A_330] : memref<50048xf32, #tpu.memory_space<vmem>>[vector<16xi32>], vector<16xf32>,
        %parallel_loop3A_333 = tpu.vector_load_idx %arg5[%parallel_loop3A_304] : memref<50048xf32, #tpu.memory_space<vmem>>[vector<16xi32>], vector<16xf32>,
        %parallel_loop3A_334 = tpu.vector_load_idx %arg5[%parallel_loop3A_307] : memref<50048xf32, #tpu.memory_space<vmem>>[vector<16xi32>], vector<16xf32>,
        %parallel_loop3A_335 = tpu.vector_load_idx %arg5[%parallel_loop3A_310] : memref<50048xf32, #tpu.memory_space<vmem>>[vector<16xi32>], vector<16xf32>,
        %parallel_loop3A_336 = tpu.vector_load_idx %arg5[%parallel_loop3A_313] : memref<50048xf32, #tpu.memory_space<vmem>>[vector<16xi32>], vector<16xf32>,
        %parallel_loop3A_337 = tpu.vector_load_idx %arg5[%parallel_loop3A_316] : memref<50048xf32, #tpu.memory_space<vmem>>[vector<16xi32>], vector<16xf32>,
        %parallel_loop3A_338 = tpu.vector_load_idx %arg5[%parallel_loop3A_319] : memref<50048xf32, #tpu.memory_space<vmem>>[vector<16xi32>], vector<16xf32>,
        %parallel_loop3A_339 = arith.constant 2 : i32
        %parallel_loop3A_340 = arith.muli %parallel_loop3A_289, %parallel_loop3A_339 : i32
        %parallel_loop3A_341 = arith.constant 16 : i32
        %parallel_loop3A_342 = arith.muli %parallel_loop3A_340, %parallel_loop3A_341 : i32
        %parallel_loop3A_343 = vector.broadcast %parallel_loop3A_342 : i32 to vector<16xi32>
        %parallel_loop3A_344 = arith.addi %mul3A_35, %parallel_loop3A_343 : vector<16xi32>
        %parallel_loop3A_345 = arith.maximumf %parallel_loop3A_331, %parallel_loop3A_333 : vector<16xf32>
        %parallel_loop3A_346 = arith.maximumf %parallel_loop3A_334, %parallel_loop3A_335 : vector<16xf32>
        %parallel_loop3A_347 = arith.maximumf %parallel_loop3A_345, %parallel_loop3A_346 : vector<16xf32>
        tpu.vector_store_idx %arg13[%parallel_loop3A_344], %parallel_loop3A_347 : memref<12512xf32, #tpu.memory_space<vmem>>[vector<16xi32>], vector<16xf32>,
        %parallel_loop3A_348 = arith.constant 1 : i32
        %parallel_loop3A_349 = vector.broadcast %parallel_loop3A_348 : i32 to vector<16xi32>
        %parallel_loop3A_350 = arith.addi %parallel_loop3A_344, %parallel_loop3A_349 : vector<16xi32>
        %parallel_loop3A_351 = arith.maximumf %parallel_loop3A_332, %parallel_loop3A_336 : vector<16xf32>
        %parallel_loop3A_352 = arith.maximumf %parallel_loop3A_337, %parallel_loop3A_338 : vector<16xf32>
        %parallel_loop3A_353 = arith.maximumf %parallel_loop3A_351, %parallel_loop3A_352 : vector<16xf32>
        tpu.vector_store_idx %arg13[%parallel_loop3A_350], %parallel_loop3A_353 : memref<12512xf32, #tpu.memory_space<vmem>>[vector<16xi32>], vector<16xf32>,
      } {sc.loop_unroll_factor = 4 : i64, sc.parallel_access}
      %mul3A_166 = arith.constant 50000 : i32
      %mul3A_167 = arith.muli %add3A_45, %mul3A_166 : i32
      %add3A_168 = arith.constant 12512 : i32
      %add3A_169 = arith.addi %mul3A_167, %add3A_168 : i32
      %dma_start3A_170 = arith.constant 0 : i32
      %dma_start3A_171 = tpu.memref_slice %arg13[%dma_start3A_170] : memref<12512xf32, #tpu.memory_space<vmem>> -> memref<12512xf32, #tpu.memory_space<vmem>>
      %dma_start3A_172 = tpu.memref_slice %arg4[%add3A_169] : memref<25600000xf32, #tpu.memory_space<hbm>> -> memref<12512xf32, #tpu.memory_space<hbm>>
      %dma_start3A_173 = tpu.memref_slice %arg4[%add3A_169] : memref<25600000xf32, #tpu.memory_space<hbm>> -> memref<12512xf32, #tpu.memory_space<hbm>>
      %dma_start3A_174 = arith.constant 0 : i32
      %dma_start3A_175 = tpu.memref_slice %arg13[%dma_start3A_174] : memref<12512xf32, #tpu.memory_space<vmem>> -> memref<12512xf32, #tpu.memory_space<vmem>>
      tpu.enqueue_dma source(%dma_start3A_175 : memref<12512xf32, #tpu.memory_space<vmem>>) target(%dma_start3A_173 : memref<12512xf32, #tpu.memory_space<hbm>>) target_semaphore(%arg17 : memref<!tpu.dma_semaphore, #tpu.memory_space<semaphore_mem>>)
      %dma_start3A_176 = arith.constant 0 : i32
      %dma_start3A_177 = arith.constant 18768 : i32
      %dma_start3A_178 = tpu.memref_slice %arg3[%select_n3A, %dma_start3A_176, %dma_start3A_177] : memref<4x3x25024xi32, #tpu.memory_space<hbm>> -> memref<1x1x6256xi32, #tpu.memory_space<hbm>>
      %dma_start3A_179 = tpu.memref_squeeze %dma_start3A_178 : memref<1x1x6256xi32, #tpu.memory_space<hbm>> -> memref<6256xi32, #tpu.memory_space<hbm>>
      %dma_start3A_180 = arith.constant 18768 : i32
      %dma_start3A_181 = tpu.memref_slice %arg3[%select_n3A, %dma_start3A_176, %dma_start3A_180] : memref<4x3x25024xi32, #tpu.memory_space<hbm>> -> memref<1x1x6256xi32, #tpu.memory_space<hbm>>
      %dma_start3A_182 = tpu.memref_squeeze %dma_start3A_181 : memref<1x1x6256xi32, #tpu.memory_space<hbm>> -> memref<6256xi32, #tpu.memory_space<hbm>>
      tpu.enqueue_dma source(%dma_start3A_182 : memref<6256xi32, #tpu.memory_space<hbm>>) target(%arg9 : memref<6256xi32, #tpu.memory_space<vmem>>) target_semaphore(%arg15 : memref<!tpu.dma_semaphore, #tpu.memory_space<semaphore_mem>>)
      %dma_start3A_183 = arith.constant 1 : i32
      %dma_start3A_184 = arith.constant 18768 : i32
      %dma_start3A_185 = tpu.memref_slice %arg3[%select_n3A, %dma_start3A_183, %dma_start3A_184] : memref<4x3x25024xi32, #tpu.memory_space<hbm>> -> memref<1x1x6256xi32, #tpu.memory_space<hbm>>
      %dma_start3A_186 = tpu.memref_squeeze %dma_start3A_185 : memref<1x1x6256xi32, #tpu.memory_space<hbm>> -> memref<6256xi32, #tpu.memory_space<hbm>>
      %dma_start3A_187 = arith.constant 18768 : i32
      %dma_start3A_188 = tpu.memref_slice %arg3[%select_n3A, %dma_start3A_183, %dma_start3A_187] : memref<4x3x25024xi32, #tpu.memory_space<hbm>> -> memref<1x1x6256xi32, #tpu.memory_space<hbm>>
      %dma_start3A_189 = tpu.memref_squeeze %dma_start3A_188 : memref<1x1x6256xi32, #tpu.memory_space<hbm>> -> memref<6256xi32, #tpu.memory_space<hbm>>
      tpu.enqueue_dma source(%dma_start3A_189 : memref<6256xi32, #tpu.memory_space<hbm>>) target(%arg10 : memref<6256xi32, #tpu.memory_space<vmem>>) target_semaphore(%arg15 : memref<!tpu.dma_semaphore, #tpu.memory_space<semaphore_mem>>)
      %dma_start3A_190 = arith.constant 2 : i32
      %dma_start3A_191 = arith.constant 18768 : i32
      %dma_start3A_192 = tpu.memref_slice %arg3[%select_n3A, %dma_start3A_190, %dma_start3A_191] : memref<4x3x25024xi32, #tpu.memory_space<hbm>> -> memref<1x1x6256xi32, #tpu.memory_space<hbm>>
      %dma_start3A_193 = tpu.memref_squeeze %dma_start3A_192 : memref<1x1x6256xi32, #tpu.memory_space<hbm>> -> memref<6256xi32, #tpu.memory_space<hbm>>
      %dma_start3A_194 = arith.constant 18768 : i32
      %dma_start3A_195 = tpu.memref_slice %arg3[%select_n3A, %dma_start3A_190, %dma_start3A_194] : memref<4x3x25024xi32, #tpu.memory_space<hbm>> -> memref<1x1x6256xi32, #tpu.memory_space<hbm>>
      %dma_start3A_196 = tpu.memref_squeeze %dma_start3A_195 : memref<1x1x6256xi32, #tpu.memory_space<hbm>> -> memref<6256xi32, #tpu.memory_space<hbm>>
      tpu.enqueue_dma source(%dma_start3A_196 : memref<6256xi32, #tpu.memory_space<hbm>>) target(%arg11 : memref<6256xi32, #tpu.memory_space<vmem>>) target_semaphore(%arg15 : memref<!tpu.dma_semaphore, #tpu.memory_space<semaphore_mem>>)
      %dma_wait3A_197 = arith.constant 0 : i32
      %dma_wait3A_198 = arith.constant 12512 : i32
      %dma_wait3A_199 = tpu.memref_slice %arg3[%select_n3A, %dma_wait3A_197, %dma_wait3A_198] : memref<4x3x25024xi32, #tpu.memory_space<hbm>> -> memref<1x1x6256xi32, #tpu.memory_space<hbm>>
      %dma_wait3A_200 = tpu.memref_squeeze %dma_wait3A_199 : memref<1x1x6256xi32, #tpu.memory_space<hbm>> -> memref<6256xi32, #tpu.memory_space<hbm>>
      %dma_wait3A_201 = arith.constant 12512 : i32
      %dma_wait3A_202 = tpu.memref_slice %arg3[%select_n3A, %dma_wait3A_197, %dma_wait3A_201] : memref<4x3x25024xi32, #tpu.memory_space<hbm>> -> memref<1x1x6256xi32, #tpu.memory_space<hbm>>
      %dma_wait3A_203 = tpu.memref_squeeze %dma_wait3A_202 : memref<1x1x6256xi32, #tpu.memory_space<hbm>> -> memref<6256xi32, #tpu.memory_space<hbm>>
      tpu.wait_dma2 semaphore(%arg14 : memref<!tpu.dma_semaphore, #tpu.memory_space<semaphore_mem>>) src(%dma_wait3A_203 : memref<6256xi32, #tpu.memory_space<hbm>>) dst(%arg6 : memref<6256xi32, #tpu.memory_space<vmem>>)
      %dma_wait3A_204 = arith.constant 1 : i32
      %dma_wait3A_205 = arith.constant 12512 : i32
      %dma_wait3A_206 = tpu.memref_slice %arg3[%select_n3A, %dma_wait3A_204, %dma_wait3A_205] : memref<4x3x25024xi32, #tpu.memory_space<hbm>> -> memref<1x1x6256xi32, #tpu.memory_space<hbm>>
      %dma_wait3A_207 = tpu.memref_squeeze %dma_wait3A_206 : memref<1x1x6256xi32, #tpu.memory_space<hbm>> -> memref<6256xi32, #tpu.memory_space<hbm>>
      %dma_wait3A_208 = arith.constant 12512 : i32
      %dma_wait3A_209 = tpu.memref_slice %arg3[%select_n3A, %dma_wait3A_204, %dma_wait3A_208] : memref<4x3x25024xi32, #tpu.memory_space<hbm>> -> memref<1x1x6256xi32, #tpu.memory_space<hbm>>
      %dma_wait3A_210 = tpu.memref_squeeze %dma_wait3A_209 : memref<1x1x6256xi32, #tpu.memory_space<hbm>> -> memref<6256xi32, #tpu.memory_space<hbm>>
      tpu.wait_dma2 semaphore(%arg14 : memref<!tpu.dma_semaphore, #tpu.memory_space<semaphore_mem>>) src(%dma_wait3A_210 : memref<6256xi32, #tpu.memory_space<hbm>>) dst(%arg7 : memref<6256xi32, #tpu.memory_space<vmem>>)
      %dma_wait3A_211 = arith.constant 2 : i32
      %dma_wait3A_212 = arith.constant 12512 : i32
      %dma_wait3A_213 = tpu.memref_slice %arg3[%select_n3A, %dma_wait3A_211, %dma_wait3A_212] : memref<4x3x25024xi32, #tpu.memory_space<hbm>> -> memref<1x1x6256xi32, #tpu.memory_space<hbm>>
      %dma_wait3A_214 = tpu.memref_squeeze %dma_wait3A_213 : memref<1x1x6256xi32, #tpu.memory_space<hbm>> -> memref<6256xi32, #tpu.memory_space<hbm>>
      %dma_wait3A_215 = arith.constant 12512 : i32
      %dma_wait3A_216 = tpu.memref_slice %arg3[%select_n3A, %dma_wait3A_211, %dma_wait3A_215] : memref<4x3x25024xi32, #tpu.memory_space<hbm>> -> memref<1x1x6256xi32, #tpu.memory_space<hbm>>
      %dma_wait3A_217 = tpu.memref_squeeze %dma_wait3A_216 : memref<1x1x6256xi32, #tpu.memory_space<hbm>> -> memref<6256xi32, #tpu.memory_space<hbm>>
      tpu.wait_dma2 semaphore(%arg14 : memref<!tpu.dma_semaphore, #tpu.memory_space<semaphore_mem>>) src(%dma_wait3A_217 : memref<6256xi32, #tpu.memory_space<hbm>>) dst(%arg8 : memref<6256xi32, #tpu.memory_space<vmem>>)
      %dma_wait3A_218 = arith.constant 0 : i32
      %dma_wait3A_219 = tpu.memref_slice %arg12[%dma_wait3A_218] : memref<12512xf32, #tpu.memory_space<vmem>> -> memref<12512xf32, #tpu.memory_space<vmem>>
      %dma_wait3A_220 = tpu.memref_slice %arg4[%add3A_114] : memref<25600000xf32, #tpu.memory_space<hbm>> -> memref<12512xf32, #tpu.memory_space<hbm>>
      %dma_wait3A_221 = tpu.memref_slice %arg4[%add3A_114] : memref<25600000xf32, #tpu.memory_space<hbm>> -> memref<12512xf32, #tpu.memory_space<hbm>>
      %dma_wait3A_222 = arith.constant 0 : i32
      %dma_wait3A_223 = tpu.memref_slice %arg12[%dma_wait3A_222] : memref<12512xf32, #tpu.memory_space<vmem>> -> memref<12512xf32, #tpu.memory_space<vmem>>
      tpu.wait_dma2 semaphore(%arg16 : memref<!tpu.dma_semaphore, #tpu.memory_space<semaphore_mem>>) src(%dma_wait3A_223 : memref<12512xf32, #tpu.memory_space<vmem>>) dst(%dma_wait3A_221 : memref<12512xf32, #tpu.memory_space<hbm>>)
      %parallel_loop3A_224 = arith.constant 0 : i32
      %parallel_loop3A_225 = arith.constant 391 : i32
      %parallel_loop3A_226 = arith.constant 1 : i32
      scf.for %parallel_loop3A_289 = %parallel_loop3A_224 to %parallel_loop3A_225 step %parallel_loop3A_226  : i32 {
        %parallel_loop3A_290 = arith.constant 16 : i32
        %parallel_loop3A_291 = arith.muli %parallel_loop3A_289, %parallel_loop3A_290 : i32
        %parallel_loop3A_292 = arith.index_cast %parallel_loop3A_291 : i32 to index
        %parallel_loop3A_293 = tpu.vector_load %arg6[%parallel_loop3A_292] {strides = array<i32>} : memref<6256xi32, #tpu.memory_space<vmem>>, vector<16xi32>,
        %parallel_loop3A_294 = arith.constant 16 : i32
        %parallel_loop3A_295 = arith.muli %parallel_loop3A_289, %parallel_loop3A_294 : i32
        %parallel_loop3A_296 = arith.index_cast %parallel_loop3A_295 : i32 to index
        %parallel_loop3A_297 = tpu.vector_load %arg7[%parallel_loop3A_296] {strides = array<i32>} : memref<6256xi32, #tpu.memory_space<vmem>>, vector<16xi32>,
        %parallel_loop3A_298 = arith.constant 16 : i32
        %parallel_loop3A_299 = arith.muli %parallel_loop3A_289, %parallel_loop3A_298 : i32
        %parallel_loop3A_300 = arith.index_cast %parallel_loop3A_299 : i32 to index
        %parallel_loop3A_301 = tpu.vector_load %arg8[%parallel_loop3A_300] {strides = array<i32>} : memref<6256xi32, #tpu.memory_space<vmem>>, vector<16xi32>,
        %parallel_loop3A_302 = arith.constant 65535 : i32
        %parallel_loop3A_303 = vector.broadcast %parallel_loop3A_302 : i32 to vector<16xi32>
        %parallel_loop3A_304 = arith.andi %parallel_loop3A_293, %parallel_loop3A_303 : vector<16xi32>
        %parallel_loop3A_305 = arith.constant 65535 : i32
        %parallel_loop3A_306 = vector.broadcast %parallel_loop3A_305 : i32 to vector<16xi32>
        %parallel_loop3A_307 = arith.andi %parallel_loop3A_297, %parallel_loop3A_306 : vector<16xi32>
        %parallel_loop3A_308 = arith.constant 65535 : i32
        %parallel_loop3A_309 = vector.broadcast %parallel_loop3A_308 : i32 to vector<16xi32>
        %parallel_loop3A_310 = arith.andi %parallel_loop3A_301, %parallel_loop3A_309 : vector<16xi32>
        %parallel_loop3A_311 = arith.constant 16 : i32
        %parallel_loop3A_312 = vector.broadcast %parallel_loop3A_311 : i32 to vector<16xi32>
        %parallel_loop3A_313 = arith.shrui %parallel_loop3A_293, %parallel_loop3A_312 : vector<16xi32>
        %parallel_loop3A_314 = arith.constant 16 : i32
        %parallel_loop3A_315 = vector.broadcast %parallel_loop3A_314 : i32 to vector<16xi32>
        %parallel_loop3A_316 = arith.shrui %parallel_loop3A_297, %parallel_loop3A_315 : vector<16xi32>
        %parallel_loop3A_317 = arith.constant 16 : i32
        %parallel_loop3A_318 = vector.broadcast %parallel_loop3A_317 : i32 to vector<16xi32>
        %parallel_loop3A_319 = arith.shrui %parallel_loop3A_301, %parallel_loop3A_318 : vector<16xi32>
        %parallel_loop3A_320 = arith.constant 2 : i32
        %parallel_loop3A_321 = arith.muli %parallel_loop3A_289, %parallel_loop3A_320 : i32
        %parallel_loop3A_322 = arith.constant 16 : i32
        %parallel_loop3A_323 = arith.muli %parallel_loop3A_321, %parallel_loop3A_322 : i32
        %parallel_loop3A_324 = arith.constant 25024 : i32
        %parallel_loop3A_325 = arith.addi %parallel_loop3A_324, %parallel_loop3A_323 : i32
        %parallel_loop3A_326 = vector.broadcast %parallel_loop3A_325 : i32 to vector<16xi32>
        %parallel_loop3A_327 = arith.addi %mul3A_35, %parallel_loop3A_326 : vector<16xi32>
        %parallel_loop3A_328 = arith.constant 1 : i32
        %parallel_loop3A_329 = vector.broadcast %parallel_loop3A_328 : i32 to vector<16xi32>
        %parallel_loop3A_330 = arith.addi %parallel_loop3A_327, %parallel_loop3A_329 : vector<16xi32>
        %parallel_loop3A_331 = tpu.vector_load_idx %arg5[%parallel_loop3A_327] : memref<50048xf32, #tpu.memory_space<vmem>>[vector<16xi32>], vector<16xf32>,
        %parallel_loop3A_332 = tpu.vector_load_idx %arg5[%parallel_loop3A_330] : memref<50048xf32, #tpu.memory_space<vmem>>[vector<16xi32>], vector<16xf32>,
        %parallel_loop3A_333 = tpu.vector_load_idx %arg5[%parallel_loop3A_304] : memref<50048xf32, #tpu.memory_space<vmem>>[vector<16xi32>], vector<16xf32>,
        %parallel_loop3A_334 = tpu.vector_load_idx %arg5[%parallel_loop3A_307] : memref<50048xf32, #tpu.memory_space<vmem>>[vector<16xi32>], vector<16xf32>,
        %parallel_loop3A_335 = tpu.vector_load_idx %arg5[%parallel_loop3A_310] : memref<50048xf32, #tpu.memory_space<vmem>>[vector<16xi32>], vector<16xf32>,
        %parallel_loop3A_336 = tpu.vector_load_idx %arg5[%parallel_loop3A_313] : memref<50048xf32, #tpu.memory_space<vmem>>[vector<16xi32>], vector<16xf32>,
        %parallel_loop3A_337 = tpu.vector_load_idx %arg5[%parallel_loop3A_316] : memref<50048xf32, #tpu.memory_space<vmem>>[vector<16xi32>], vector<16xf32>,
        %parallel_loop3A_338 = tpu.vector_load_idx %arg5[%parallel_loop3A_319] : memref<50048xf32, #tpu.memory_space<vmem>>[vector<16xi32>], vector<16xf32>,
        %parallel_loop3A_339 = arith.constant 2 : i32
        %parallel_loop3A_340 = arith.muli %parallel_loop3A_289, %parallel_loop3A_339 : i32
        %parallel_loop3A_341 = arith.constant 16 : i32
        %parallel_loop3A_342 = arith.muli %parallel_loop3A_340, %parallel_loop3A_341 : i32
        %parallel_loop3A_343 = vector.broadcast %parallel_loop3A_342 : i32 to vector<16xi32>
        %parallel_loop3A_344 = arith.addi %mul3A_35, %parallel_loop3A_343 : vector<16xi32>
        %parallel_loop3A_345 = arith.maximumf %parallel_loop3A_331, %parallel_loop3A_333 : vector<16xf32>
        %parallel_loop3A_346 = arith.maximumf %parallel_loop3A_334, %parallel_loop3A_335 : vector<16xf32>
        %parallel_loop3A_347 = arith.maximumf %parallel_loop3A_345, %parallel_loop3A_346 : vector<16xf32>
        tpu.vector_store_idx %arg12[%parallel_loop3A_344], %parallel_loop3A_347 : memref<12512xf32, #tpu.memory_space<vmem>>[vector<16xi32>], vector<16xf32>,
        %parallel_loop3A_348 = arith.constant 1 : i32
        %parallel_loop3A_349 = vector.broadcast %parallel_loop3A_348 : i32 to vector<16xi32>
        %parallel_loop3A_350 = arith.addi %parallel_loop3A_344, %parallel_loop3A_349 : vector<16xi32>
        %parallel_loop3A_351 = arith.maximumf %parallel_loop3A_332, %parallel_loop3A_336 : vector<16xf32>
        %parallel_loop3A_352 = arith.maximumf %parallel_loop3A_337, %parallel_loop3A_338 : vector<16xf32>
        %parallel_loop3A_353 = arith.maximumf %parallel_loop3A_351, %parallel_loop3A_352 : vector<16xf32>
        tpu.vector_store_idx %arg12[%parallel_loop3A_350], %parallel_loop3A_353 : memref<12512xf32, #tpu.memory_space<vmem>>[vector<16xi32>], vector<16xf32>,
      } {sc.loop_unroll_factor = 4 : i64, sc.parallel_access}
      %mul3A_227 = arith.constant 50000 : i32
      %mul3A_228 = arith.muli %add3A_45, %mul3A_227 : i32
      %add3A_229 = arith.constant 25024 : i32
      %add3A_230 = arith.addi %mul3A_228, %add3A_229 : i32
      %dma_start3A_231 = arith.constant 0 : i32
      %dma_start3A_232 = tpu.memref_slice %arg12[%dma_start3A_231] : memref<12512xf32, #tpu.memory_space<vmem>> -> memref<12512xf32, #tpu.memory_space<vmem>>
      %dma_start3A_233 = tpu.memref_slice %arg4[%add3A_230] : memref<25600000xf32, #tpu.memory_space<hbm>> -> memref<12512xf32, #tpu.memory_space<hbm>>
      %dma_start3A_234 = tpu.memref_slice %arg4[%add3A_230] : memref<25600000xf32, #tpu.memory_space<hbm>> -> memref<12512xf32, #tpu.memory_space<hbm>>
      %dma_start3A_235 = arith.constant 0 : i32
      %dma_start3A_236 = tpu.memref_slice %arg12[%dma_start3A_235] : memref<12512xf32, #tpu.memory_space<vmem>> -> memref<12512xf32, #tpu.memory_space<vmem>>
      tpu.enqueue_dma source(%dma_start3A_236 : memref<12512xf32, #tpu.memory_space<vmem>>) target(%dma_start3A_234 : memref<12512xf32, #tpu.memory_space<hbm>>) target_semaphore(%arg16 : memref<!tpu.dma_semaphore, #tpu.memory_space<semaphore_mem>>)
      %dma_wait3A_237 = arith.constant 0 : i32
      %dma_wait3A_238 = arith.constant 18768 : i32
      %dma_wait3A_239 = tpu.memref_slice %arg3[%select_n3A, %dma_wait3A_237, %dma_wait3A_238] : memref<4x3x25024xi32, #tpu.memory_space<hbm>> -> memref<1x1x6256xi32, #tpu.memory_space<hbm>>
      %dma_wait3A_240 = tpu.memref_squeeze %dma_wait3A_239 : memref<1x1x6256xi32, #tpu.memory_space<hbm>> -> memref<6256xi32, #tpu.memory_space<hbm>>
      %dma_wait3A_241 = arith.constant 18768 : i32
      %dma_wait3A_242 = tpu.memref_slice %arg3[%select_n3A, %dma_wait3A_237, %dma_wait3A_241] : memref<4x3x25024xi32, #tpu.memory_space<hbm>> -> memref<1x1x6256xi32, #tpu.memory_space<hbm>>
      %dma_wait3A_243 = tpu.memref_squeeze %dma_wait3A_242 : memref<1x1x6256xi32, #tpu.memory_space<hbm>> -> memref<6256xi32, #tpu.memory_space<hbm>>
      tpu.wait_dma2 semaphore(%arg15 : memref<!tpu.dma_semaphore, #tpu.memory_space<semaphore_mem>>) src(%dma_wait3A_243 : memref<6256xi32, #tpu.memory_space<hbm>>) dst(%arg9 : memref<6256xi32, #tpu.memory_space<vmem>>)
      %dma_wait3A_244 = arith.constant 1 : i32
      %dma_wait3A_245 = arith.constant 18768 : i32
      %dma_wait3A_246 = tpu.memref_slice %arg3[%select_n3A, %dma_wait3A_244, %dma_wait3A_245] : memref<4x3x25024xi32, #tpu.memory_space<hbm>> -> memref<1x1x6256xi32, #tpu.memory_space<hbm>>
      %dma_wait3A_247 = tpu.memref_squeeze %dma_wait3A_246 : memref<1x1x6256xi32, #tpu.memory_space<hbm>> -> memref<6256xi32, #tpu.memory_space<hbm>>
      %dma_wait3A_248 = arith.constant 18768 : i32
      %dma_wait3A_249 = tpu.memref_slice %arg3[%select_n3A, %dma_wait3A_244, %dma_wait3A_248] : memref<4x3x25024xi32, #tpu.memory_space<hbm>> -> memref<1x1x6256xi32, #tpu.memory_space<hbm>>
      %dma_wait3A_250 = tpu.memref_squeeze %dma_wait3A_249 : memref<1x1x6256xi32, #tpu.memory_space<hbm>> -> memref<6256xi32, #tpu.memory_space<hbm>>
      tpu.wait_dma2 semaphore(%arg15 : memref<!tpu.dma_semaphore, #tpu.memory_space<semaphore_mem>>) src(%dma_wait3A_250 : memref<6256xi32, #tpu.memory_space<hbm>>) dst(%arg10 : memref<6256xi32, #tpu.memory_space<vmem>>)
      %dma_wait3A_251 = arith.constant 2 : i32
      %dma_wait3A_252 = arith.constant 18768 : i32
      %dma_wait3A_253 = tpu.memref_slice %arg3[%select_n3A, %dma_wait3A_251, %dma_wait3A_252] : memref<4x3x25024xi32, #tpu.memory_space<hbm>> -> memref<1x1x6256xi32, #tpu.memory_space<hbm>>
      %dma_wait3A_254 = tpu.memref_squeeze %dma_wait3A_253 : memref<1x1x6256xi32, #tpu.memory_space<hbm>> -> memref<6256xi32, #tpu.memory_space<hbm>>
      %dma_wait3A_255 = arith.constant 18768 : i32
      %dma_wait3A_256 = tpu.memref_slice %arg3[%select_n3A, %dma_wait3A_251, %dma_wait3A_255] : memref<4x3x25024xi32, #tpu.memory_space<hbm>> -> memref<1x1x6256xi32, #tpu.memory_space<hbm>>
      %dma_wait3A_257 = tpu.memref_squeeze %dma_wait3A_256 : memref<1x1x6256xi32, #tpu.memory_space<hbm>> -> memref<6256xi32, #tpu.memory_space<hbm>>
      tpu.wait_dma2 semaphore(%arg15 : memref<!tpu.dma_semaphore, #tpu.memory_space<semaphore_mem>>) src(%dma_wait3A_257 : memref<6256xi32, #tpu.memory_space<hbm>>) dst(%arg11 : memref<6256xi32, #tpu.memory_space<vmem>>)
      %dma_wait3A_258 = arith.constant 0 : i32
      %dma_wait3A_259 = tpu.memref_slice %arg13[%dma_wait3A_258] : memref<12512xf32, #tpu.memory_space<vmem>> -> memref<12512xf32, #tpu.memory_space<vmem>>
      %dma_wait3A_260 = tpu.memref_slice %arg4[%add3A_169] : memref<25600000xf32, #tpu.memory_space<hbm>> -> memref<12512xf32, #tpu.memory_space<hbm>>
      %dma_wait3A_261 = tpu.memref_slice %arg4[%add3A_169] : memref<25600000xf32, #tpu.memory_space<hbm>> -> memref<12512xf32, #tpu.memory_space<hbm>>
      %dma_wait3A_262 = arith.constant 0 : i32
      %dma_wait3A_263 = tpu.memref_slice %arg13[%dma_wait3A_262] : memref<12512xf32, #tpu.memory_space<vmem>> -> memref<12512xf32, #tpu.memory_space<vmem>>
      tpu.wait_dma2 semaphore(%arg17 : memref<!tpu.dma_semaphore, #tpu.memory_space<semaphore_mem>>) src(%dma_wait3A_263 : memref<12512xf32, #tpu.memory_space<vmem>>) dst(%dma_wait3A_261 : memref<12512xf32, #tpu.memory_space<hbm>>)
      %parallel_loop3A_264 = arith.constant 0 : i32
      %parallel_loop3A_265 = arith.constant 391 : i32
      %parallel_loop3A_266 = arith.constant 1 : i32
      scf.for %parallel_loop3A_289 = %parallel_loop3A_264 to %parallel_loop3A_265 step %parallel_loop3A_266  : i32 {
        %parallel_loop3A_290 = arith.constant 16 : i32
        %parallel_loop3A_291 = arith.muli %parallel_loop3A_289, %parallel_loop3A_290 : i32
        %parallel_loop3A_292 = arith.index_cast %parallel_loop3A_291 : i32 to index
        %parallel_loop3A_293 = tpu.vector_load %arg9[%parallel_loop3A_292] {strides = array<i32>} : memref<6256xi32, #tpu.memory_space<vmem>>, vector<16xi32>,
        %parallel_loop3A_294 = arith.constant 16 : i32
        %parallel_loop3A_295 = arith.muli %parallel_loop3A_289, %parallel_loop3A_294 : i32
        %parallel_loop3A_296 = arith.index_cast %parallel_loop3A_295 : i32 to index
        %parallel_loop3A_297 = tpu.vector_load %arg10[%parallel_loop3A_296] {strides = array<i32>} : memref<6256xi32, #tpu.memory_space<vmem>>, vector<16xi32>,
        %parallel_loop3A_298 = arith.constant 16 : i32
        %parallel_loop3A_299 = arith.muli %parallel_loop3A_289, %parallel_loop3A_298 : i32
        %parallel_loop3A_300 = arith.index_cast %parallel_loop3A_299 : i32 to index
        %parallel_loop3A_301 = tpu.vector_load %arg11[%parallel_loop3A_300] {strides = array<i32>} : memref<6256xi32, #tpu.memory_space<vmem>>, vector<16xi32>,
        %parallel_loop3A_302 = arith.constant 65535 : i32
        %parallel_loop3A_303 = vector.broadcast %parallel_loop3A_302 : i32 to vector<16xi32>
        %parallel_loop3A_304 = arith.andi %parallel_loop3A_293, %parallel_loop3A_303 : vector<16xi32>
        %parallel_loop3A_305 = arith.constant 65535 : i32
        %parallel_loop3A_306 = vector.broadcast %parallel_loop3A_305 : i32 to vector<16xi32>
        %parallel_loop3A_307 = arith.andi %parallel_loop3A_297, %parallel_loop3A_306 : vector<16xi32>
        %parallel_loop3A_308 = arith.constant 65535 : i32
        %parallel_loop3A_309 = vector.broadcast %parallel_loop3A_308 : i32 to vector<16xi32>
        %parallel_loop3A_310 = arith.andi %parallel_loop3A_301, %parallel_loop3A_309 : vector<16xi32>
        %parallel_loop3A_311 = arith.constant 16 : i32
        %parallel_loop3A_312 = vector.broadcast %parallel_loop3A_311 : i32 to vector<16xi32>
        %parallel_loop3A_313 = arith.shrui %parallel_loop3A_293, %parallel_loop3A_312 : vector<16xi32>
        %parallel_loop3A_314 = arith.constant 16 : i32
        %parallel_loop3A_315 = vector.broadcast %parallel_loop3A_314 : i32 to vector<16xi32>
        %parallel_loop3A_316 = arith.shrui %parallel_loop3A_297, %parallel_loop3A_315 : vector<16xi32>
        %parallel_loop3A_317 = arith.constant 16 : i32
        %parallel_loop3A_318 = vector.broadcast %parallel_loop3A_317 : i32 to vector<16xi32>
        %parallel_loop3A_319 = arith.shrui %parallel_loop3A_301, %parallel_loop3A_318 : vector<16xi32>
        %parallel_loop3A_320 = arith.constant 2 : i32
        %parallel_loop3A_321 = arith.muli %parallel_loop3A_289, %parallel_loop3A_320 : i32
        %parallel_loop3A_322 = arith.constant 16 : i32
        %parallel_loop3A_323 = arith.muli %parallel_loop3A_321, %parallel_loop3A_322 : i32
        %parallel_loop3A_324 = arith.constant 37536 : i32
        %parallel_loop3A_325 = arith.addi %parallel_loop3A_324, %parallel_loop3A_323 : i32
        %parallel_loop3A_326 = vector.broadcast %parallel_loop3A_325 : i32 to vector<16xi32>
        %parallel_loop3A_327 = arith.addi %mul3A_35, %parallel_loop3A_326 : vector<16xi32>
        %parallel_loop3A_328 = arith.constant 1 : i32
        %parallel_loop3A_329 = vector.broadcast %parallel_loop3A_328 : i32 to vector<16xi32>
        %parallel_loop3A_330 = arith.addi %parallel_loop3A_327, %parallel_loop3A_329 : vector<16xi32>
        %parallel_loop3A_331 = tpu.vector_load_idx %arg5[%parallel_loop3A_327] : memref<50048xf32, #tpu.memory_space<vmem>>[vector<16xi32>], vector<16xf32>,
        %parallel_loop3A_332 = tpu.vector_load_idx %arg5[%parallel_loop3A_330] : memref<50048xf32, #tpu.memory_space<vmem>>[vector<16xi32>], vector<16xf32>,
        %parallel_loop3A_333 = tpu.vector_load_idx %arg5[%parallel_loop3A_304] : memref<50048xf32, #tpu.memory_space<vmem>>[vector<16xi32>], vector<16xf32>,
        %parallel_loop3A_334 = tpu.vector_load_idx %arg5[%parallel_loop3A_307] : memref<50048xf32, #tpu.memory_space<vmem>>[vector<16xi32>], vector<16xf32>,
        %parallel_loop3A_335 = tpu.vector_load_idx %arg5[%parallel_loop3A_310] : memref<50048xf32, #tpu.memory_space<vmem>>[vector<16xi32>], vector<16xf32>,
        %parallel_loop3A_336 = tpu.vector_load_idx %arg5[%parallel_loop3A_313] : memref<50048xf32, #tpu.memory_space<vmem>>[vector<16xi32>], vector<16xf32>,
        %parallel_loop3A_337 = tpu.vector_load_idx %arg5[%parallel_loop3A_316] : memref<50048xf32, #tpu.memory_space<vmem>>[vector<16xi32>], vector<16xf32>,
        %parallel_loop3A_338 = tpu.vector_load_idx %arg5[%parallel_loop3A_319] : memref<50048xf32, #tpu.memory_space<vmem>>[vector<16xi32>], vector<16xf32>,
        %parallel_loop3A_339 = arith.constant 2 : i32
        %parallel_loop3A_340 = arith.muli %parallel_loop3A_289, %parallel_loop3A_339 : i32
        %parallel_loop3A_341 = arith.constant 16 : i32
        %parallel_loop3A_342 = arith.muli %parallel_loop3A_340, %parallel_loop3A_341 : i32
        %parallel_loop3A_343 = vector.broadcast %parallel_loop3A_342 : i32 to vector<16xi32>
        %parallel_loop3A_344 = arith.addi %mul3A_35, %parallel_loop3A_343 : vector<16xi32>
        %parallel_loop3A_345 = arith.maximumf %parallel_loop3A_331, %parallel_loop3A_333 : vector<16xf32>
        %parallel_loop3A_346 = arith.maximumf %parallel_loop3A_334, %parallel_loop3A_335 : vector<16xf32>
        %parallel_loop3A_347 = arith.maximumf %parallel_loop3A_345, %parallel_loop3A_346 : vector<16xf32>
        tpu.vector_store_idx %arg13[%parallel_loop3A_344], %parallel_loop3A_347 : memref<12512xf32, #tpu.memory_space<vmem>>[vector<16xi32>], vector<16xf32>,
        %parallel_loop3A_348 = arith.constant 1 : i32
        %parallel_loop3A_349 = vector.broadcast %parallel_loop3A_348 : i32 to vector<16xi32>
        %parallel_loop3A_350 = arith.addi %parallel_loop3A_344, %parallel_loop3A_349 : vector<16xi32>
        %parallel_loop3A_351 = arith.maximumf %parallel_loop3A_332, %parallel_loop3A_336 : vector<16xf32>
        %parallel_loop3A_352 = arith.maximumf %parallel_loop3A_337, %parallel_loop3A_338 : vector<16xf32>
        %parallel_loop3A_353 = arith.maximumf %parallel_loop3A_351, %parallel_loop3A_352 : vector<16xf32>
        tpu.vector_store_idx %arg13[%parallel_loop3A_350], %parallel_loop3A_353 : memref<12512xf32, #tpu.memory_space<vmem>>[vector<16xi32>], vector<16xf32>,
      } {sc.loop_unroll_factor = 4 : i64, sc.parallel_access}
      %mul3A_267 = arith.constant 50000 : i32
      %mul3A_268 = arith.muli %add3A_45, %mul3A_267 : i32
      %add3A_269 = arith.constant 37536 : i32
      %add3A_270 = arith.addi %mul3A_268, %add3A_269 : i32
      %dma_start3A_271 = arith.constant 0 : i32
      %dma_start3A_272 = tpu.memref_slice %arg13[%dma_start3A_271] : memref<12512xf32, #tpu.memory_space<vmem>> -> memref<12464xf32, #tpu.memory_space<vmem>>
      %dma_start3A_273 = tpu.memref_slice %arg4[%add3A_270] : memref<25600000xf32, #tpu.memory_space<hbm>> -> memref<12464xf32, #tpu.memory_space<hbm>>
      %dma_start3A_274 = tpu.memref_slice %arg4[%add3A_270] : memref<25600000xf32, #tpu.memory_space<hbm>> -> memref<12464xf32, #tpu.memory_space<hbm>>
      %dma_start3A_275 = arith.constant 0 : i32
      %dma_start3A_276 = tpu.memref_slice %arg13[%dma_start3A_275] : memref<12512xf32, #tpu.memory_space<vmem>> -> memref<12464xf32, #tpu.memory_space<vmem>>
      tpu.enqueue_dma source(%dma_start3A_276 : memref<12464xf32, #tpu.memory_space<vmem>>) target(%dma_start3A_274 : memref<12464xf32, #tpu.memory_space<hbm>>) target_semaphore(%arg17 : memref<!tpu.dma_semaphore, #tpu.memory_space<semaphore_mem>>)
      %dma_wait3A_277 = arith.constant 0 : i32
      %dma_wait3A_278 = tpu.memref_slice %arg12[%dma_wait3A_277] : memref<12512xf32, #tpu.memory_space<vmem>> -> memref<12512xf32, #tpu.memory_space<vmem>>
      %dma_wait3A_279 = tpu.memref_slice %arg4[%add3A_230] : memref<25600000xf32, #tpu.memory_space<hbm>> -> memref<12512xf32, #tpu.memory_space<hbm>>
      %dma_wait3A_280 = tpu.memref_slice %arg4[%add3A_230] : memref<25600000xf32, #tpu.memory_space<hbm>> -> memref<12512xf32, #tpu.memory_space<hbm>>
      %dma_wait3A_281 = arith.constant 0 : i32
      %dma_wait3A_282 = tpu.memref_slice %arg12[%dma_wait3A_281] : memref<12512xf32, #tpu.memory_space<vmem>> -> memref<12512xf32, #tpu.memory_space<vmem>>
      tpu.wait_dma2 semaphore(%arg16 : memref<!tpu.dma_semaphore, #tpu.memory_space<semaphore_mem>>) src(%dma_wait3A_282 : memref<12512xf32, #tpu.memory_space<vmem>>) dst(%dma_wait3A_280 : memref<12512xf32, #tpu.memory_space<hbm>>)
      %dma_wait3A_283 = arith.constant 0 : i32
      %dma_wait3A_284 = tpu.memref_slice %arg13[%dma_wait3A_283] : memref<12512xf32, #tpu.memory_space<vmem>> -> memref<12464xf32, #tpu.memory_space<vmem>>
      %dma_wait3A_285 = tpu.memref_slice %arg4[%add3A_270] : memref<25600000xf32, #tpu.memory_space<hbm>> -> memref<12464xf32, #tpu.memory_space<hbm>>
      %dma_wait3A_286 = tpu.memref_slice %arg4[%add3A_270] : memref<25600000xf32, #tpu.memory_space<hbm>> -> memref<12464xf32, #tpu.memory_space<hbm>>
      %dma_wait3A_287 = arith.constant 0 : i32
      %dma_wait3A_288 = tpu.memref_slice %arg13[%dma_wait3A_287] : memref<12512xf32, #tpu.memory_space<vmem>> -> memref<12464xf32, #tpu.memory_space<vmem>>
      tpu.wait_dma2 semaphore(%arg17 : memref<!tpu.dma_semaphore, #tpu.memory_space<semaphore_mem>>) src(%dma_wait3A_288 : memref<12464xf32, #tpu.memory_space<vmem>>) dst(%dma_wait3A_286 : memref<12464xf32, #tpu.memory_space<hbm>>)
    }
    %scan3A_40 = arith.constant 16 : i32
    return
  }
}

</mosaic_0001>

<sc_bundles>
// kernel: kernel.3.cloned.1.call-start
scs
__scs_entry_jumppad:
0x0: {  	(pc) =	sbr.rel $0x88, $3  }
0x1: {  	(tag) =	ssettag $0x0;
	lr =	simm.s32 $0x1  }
0x2: {  	[smem:$0x3F9F] =	sst lr;
	_ =	strace $0xD0000000  }
0x3: {  	_ = 	snop  }
0x4: {  	_ = 	snop  }
0x5: {  	_ = 	snop  }
0x6: {  	_ = 	snop  }
0x7: {  	_ = 	snop  }
__scs_overlays_trampoline_lowered:
0x8: {  	[smem:$0x3FAE] =	sst s0  }
0x9: {  	[smem:$0x3FAF] =	sst s1  }
0xa: {  	[smem:$0x3FB0] =	sst s2  }
0xb: {  	[smem:$0x3FB1] =	sst s3  }
0xc: {  	[smem:$0x3FB2] =	sst s4  }
0xd: {  	[smem:$0x3FB3] =	sst s5  }
0xe: {  	[smem:$0x3FB4] =	sst s6  }
0xf: {  	[smem:$0x3FB5] =	sst s7  }
0x10: {  	[smem:$0x3FB6] =	sst s8  }
0x11: {  	[smem:$0x3FB7] =	sst s9;
	s0 =	simm.s32 @!p0 $0x0  }
0x12: {  	s1 =	sld [smem:$0x3F9D];
	s0 =	simm.s32 @p0 $0x1  }
0x13: {  	[smem:$0x3FB8] =	sst s0;
	s0 =	simm.s32 @!p1 $0x0  }
0x14: {  	s2 =	sld [smem:$0x3F9C];
	s0 =	simm.s32 @p1 $0x1  }
0x15: {  	[smem:$0x3FB9] =	sst s0;
	s0 =	simm.s32 @!p2 $0x0  }
0x16: {  	s3 =	sld [smem:$0x3FDB];
	s0 =	simm.s32 @p2 $0x1  }
0x17: {  	s4 =	simm.s32 $0x1BF5;
	[smem:$0x3FBB] =	sst s0  }
0x18: {  	s0 =	sld [smem:$0x3F9E];
	_ =	swait.ge [sflag:s4], $0x0  }
0x19: {  	s7 =	sld [smem:$0x3F9F]  }
0x1a: {  	s8 =	sadd.s32 $0xFFFFE003, lr  }
0x1b: {  	s9 =	sadd.s32 $0xFFFFFEF7, lr;
	s5 =	simm.s32 $0xFFFFFFFF;
	p2 =	slt.u32 s8, $0xFFFFF086  }
0x1c: {  	p1 =	slt.u32 s9, $0xF7A;
	s5 =	simm.s32 @!p2 $0x0  }
0x1d: {  	s5 =	simm.s32 @p1 $0x1;
	p0 =	seq.s32 s7, s2  }
0x1e: {  	s7 =	smul.u32 @!p0 $0xF7A, s2;
	p2 =	seq.s32 @!p0 s5, $0x0  }
0x1f: {  	s9 =	smul.u32 $0xF7A, s1;
	s8 =	simm.s32 @!p0 $0x1BF5;
	p2 =	por !p2, p0  }
0x20: {  	[sflag:s8] =	ssyncset.s32 @!p0 $0xFFFFF086;
	s6 =	sadd.s32 @!p0 s3, s7;
	s7 =	simm.s32 @!p0 $0x108  }
0x21: {  	s3 =	sadd.s32 s3, s9;
	s6 =	sadd.s32 @!p0 $0x88, s6;
	s7 =	simm.s32 @p2 $0x1082  }
0x22: {  	[simem:s7], [sflag:s8] =	dma.local @!p0 [hbm:s6], $0xF7A  }
0x23: {  	s9 =	sor.u32 $0xD0000000, s2;
	s6 =	simm.s32 $0x108;
	_ =	swait.ge @!p0 [sflag:s8], $0x0  }
0x24: {  	s3 =	sadd.s32 $0x88, s3;
	s6 =	simm.s32 @!p1 $0x1082;
	[sflag:s4] =	ssyncset.s32 $0xFFFFF086  }
0x25: {  	[simem:s6], [sflag:s4] =	dma.local [hbm:s3], $0xF7A  }
0x26: {  	[smem:$0x3F9F] =	sst s1;
	(tag) =	ssettag s2;
	_ =	strace s9  }
0x27: {  	s1 =	sld [smem:$0x3FAF]  }
0x28: {  	s2 =	sld [smem:$0x3FB0]  }
0x29: {  	s4 =	sld [smem:$0x3FB2]  }
0x2a: {  	p0 =	seq.s32 s5, $0x0;
	s5 =	sld [smem:$0x3FB3]  }
0x2b: {  	s6 =	sld [smem:$0x3FB4]  }
0x2c: {  	s7 =	sld [smem:$0x3FB5]  }
0x2d: {  	s3 =	simm.s32 $0x108;
	s8 =	sld [smem:$0x3FB6]  }
0x2e: {  	s3 =	simm.s32 @!p0 $0x1082;
	s9 =	sld [smem:$0x3FB7]  }
0x2f: {  	lr =	sadd.s32 s0, s3;
	s0 =	sld [smem:$0x3FAE]  }
0x30: {  	s3 =	sld [smem:$0x3FB1]  }
0x31: {  	[smem:$0x3FBA] =	sst s10  }
0x32: {  	s10 =	sld [smem:$0x3FB8];
	_ =	sdelay $0x3  }
0x33: {  	p0 =	seq.s32 s10, $0x1;
	s10 =	sld [smem:$0x3FBA];
	_ =	sdelay $0x3  }
0x34: {  	[smem:$0x3FBA] =	sst s10  }
0x35: {  	s10 =	sld [smem:$0x3FB9];
	_ =	sdelay $0x3  }
0x36: {  	p1 =	seq.s32 s10, $0x1;
	s10 =	sld [smem:$0x3FBA];
	_ =	sdelay $0x3  }
0x37: {  	[smem:$0x3FBA] =	sst s10  }
0x38: {  	s10 =	sld [smem:$0x3FBB]  }
0x39: {  	_ = 	snop;
	(pc) =	sbr.ind lr, $3  }
0x3a: {  	_ = 	snop  }
0x3b: {  	_ = 	snop  }
0x3c: {  	p2 =	seq.s32 s10, $0x1;
	s10 =	sld [smem:$0x3FBA]  }
0x3d: {  	_ =	shalt  }
0x3e: {  	_ =	shalt  }
0x3f: {  	_ =	shalt  }
0x40: {  	_ =	shalt  }
0x41: {  	_ =	shalt  }
0x42: {  	_ =	shalt  }
0x43: {  	_ =	shalt  }
0x44: {  	_ =	shalt  }
0x45: {  	_ =	shalt  }
0x46: {  	_ =	shalt  }
0x47: {  	_ =	shalt  }
0x48: {  	_ =	shalt  }
0x49: {  	_ =	shalt  }
0x4a: {  	_ =	shalt  }
0x4b: {  	_ =	shalt  }
0x4c: {  	_ =	shalt  }
0x4d: {  	_ =	shalt  }
0x4e: {  	_ =	shalt  }
0x4f: {  	_ =	shalt  }
0x50: {  	_ =	shalt  }
0x51: {  	_ =	shalt  }
0x52: {  	_ =	shalt  }
0x53: {  	_ =	shalt  }
0x54: {  	_ =	shalt  }
0x55: {  	_ =	shalt  }
0x56: {  	_ =	shalt  }
0x57: {  	_ =	shalt  }
0x58: {  	_ =	shalt  }
0x59: {  	_ =	shalt  }
0x5a: {  	_ =	shalt  }
0x5b: {  	_ =	shalt  }
0x5c: {  	_ =	shalt  }
0x5d: {  	_ =	shalt  }
0x5e: {  	_ =	shalt  }
0x5f: {  	_ =	shalt  }
0x60: {  	_ =	shalt  }
0x61: {  	_ =	shalt  }
0x62: {  	_ =	shalt  }
0x63: {  	_ =	shalt  }
0x64: {  	_ =	shalt  }
0x65: {  	_ =	shalt  }
0x66: {  	_ =	shalt  }
0x67: {  	_ =	shalt  }
0x68: {  	_ =	shalt  }
0x69: {  	_ =	shalt  }
0x6a: {  	_ =	shalt  }
0x6b: {  	_ =	shalt  }
0x6c: {  	_ =	shalt  }
0x6d: {  	_ =	shalt  }
0x6e: {  	_ =	shalt  }
0x6f: {  	_ =	shalt  }
0x70: {  	_ =	shalt  }
0x71: {  	_ =	shalt  }
0x72: {  	_ =	shalt  }
0x73: {  	_ =	shalt  }
0x74: {  	_ =	shalt  }
0x75: {  	_ =	shalt  }
0x76: {  	_ =	shalt  }
0x77: {  	_ =	shalt  }
0x78: {  	_ =	shalt  }
0x79: {  	_ =	shalt  }
0x7a: {  	_ =	shalt  }
0x7b: {  	_ =	shalt  }
0x7c: {  	_ =	shalt  }
0x7d: {  	_ =	shalt  }
0x7e: {  	_ =	shalt  }
0x7f: {  	_ =	shalt  }
0x80: {  	_ =	shalt  }
0x81: {  	_ =	shalt  }
0x82: {  	_ =	shalt  }
0x83: {  	_ =	shalt  }
0x84: {  	_ =	shalt  }
0x85: {  	_ =	shalt  }
0x86: {  	_ =	shalt  }
0x87: {  	_ =	shalt  }
.Lfunc_end0:
.L_simem_size_0:
called_computation.1_lowered:
.L_overlay_start_0:
0x88: {  	s2 =	sld [smem:$0x3FD9]  }
0x89: {  	s3 =	sld [smem:$0x3FFE];
	_ =	sdelay $0x1  }
0x8a: {  	s1 =	srdreg.scid  }
0x8b: {  	s0 =	sand.u32 $0x1, s1  }
0x8c: {  	s17 =	sshll.u32 s0, $0xA;
	s2 =	sadd.s32 s3, s2  }
0x8d: {  	s2 =	sadd.s32 s2, s17  }
0x8e: {  	[smem:$0x3FC6] =	sst s2  }
0x8f: {  	_ = 	snop  }
0x90: {  	s2 =	sld [smem:$0x3FD0];
	(tm) =	ssettm $0x1  }
0x91: {  	s18 =	sld [smem:$0x3FFB];
	_ =	sdelay $0x3  }
0x92: {  	_ =	strace s18  }
0x93: {  	s3 =	sld [smem:$0x3FFC];
	_ =	sdelay $0x3  }
0x94: {  	_ =	strace s3  }
0x95: {  	s3 =	sld [smem:$0x3FFD];
	_ =	sdelay $0x3  }
0x96: {  	_ =	strace s3  }
0x97: {  	_ =	strace $0x8FFFFFFF  }
0x98: {  	s19 =	sld [smem:$0x3FDB];
	_ =	sdelay $0x1  }
0x99: {  	s4 =	simm.s32 $_scs_section_size  }
0x9a: {  	s5 =	simm.s32 $_size__tile_overlayer_lowered;
	s6 =	simm.s32 $_tile_overlayer_lowered  }
0x9b: {  	s22 =	simm.s32 $0x1BFF;
	s21 =	sshll.u32 s6, $0x1;
	s3 =	sadd.s32 s4, s19  }
0x9c: {  	s7 =	simm.s32 $0x0;
	s20 =	sshll.u32 s5, $0x1;
	s5 =	sadd.s32 s21, s3  }
0x9d: {  	[timem:s7], [sflag:s22] =	dma.local [hbm:s5], s20  }
0x9e: {  	_ =	swait.ge [sflag:s22], s20  }
0x9f: {  	s4 =	ssub.s32 $0x0, s20;
	[sflag:s22] =	ssyncset.done $0x0  }
0xa0: {  	[sflag:s22] =	ssyncadd.s32 s4;
	_ =	sdelay $0x1  }
0xa1: {  	s23 =	simm.s32 $0x1B8B  }
0xa2: {  	_ =	swait.ge [sflag:s23], $0x1  }
0xa3: {  	[sflag:s23] =	ssyncset.done $0x0  }
0xa4: {  	s25 =	simm.s32 $0x1B8E;
	s24 =	sld [smem:$0x3FFE];
	[sflag:s23] =	ssyncadd.s32 $0xFFFFFFFF  }
0xa5: {  	s26 =	simm.s32 $execute0_lowered;
	[smem:$0x3FD2] =	sst s25  }
0xa6: {  	s5 =	sshll.u32 s26, $0x1;
	_ =	strace $0x80000046;
	[dreg:$0x1] =	wrdreg $0xFFFFFFFF  }
0xa7: {  	s28 =	simm.s32 $_size_execute0_lowered;
	s3 =	sadd.s32 s3, s5;
	[dreg:$0x0] =	wrdreg $0x0  }
0xa8: {  	s5 =	sshll.u32 s28, $0x1;
	[dreg:$0x2] =	wrdreg s3  }
0xa9: {  	[dreg:$0x3] =	wrdreg s5  }
0xaa: {  	[dreg:$0x4] =	wrdreg $0xC0  }
0xab: {  	_ =	task [dreg:s7], $0x5FFFF  }
0xac: {  	[dreg:$0x1] =	wrdreg $0xFFFFFFFF  }
0xad: {  	[dreg:$0x0] =	wrdreg $0x60  }
0xae: {  	[dreg:$0x2] =	wrdreg s2  }
0xaf: {  	[dreg:$0x3] =	wrdreg s24  }
0xb0: {  	[dreg:$0x4] =	wrdreg $0x9  }
0xb1: {  	_ =	task.clear_ibuf [dreg:s7], $0x5FFFF;
	_ =	strace $0x90000046  }
0xb2: {  	s29 =	simm.s32 $0x9;
	_ =	strace $0x80000048  }
0xb3: {  	_ =	swait.ge [sflag:s29], $0x1  }
0xb4: {  	[sflag:s29] =	ssyncadd.s32 $0xFFFFFFFF  }
0xb5: {  	_ =	strace $0x90000048  }
0xb6: {  	_ =	sfence  }
0xb7: {  	s30 =	sld [smem:$0x0];
	_ =	sdelay $0x2  }
0xb8: {  	s31 =	sshll.u32 s1, $0xD;
	s1 =	sshrl.u32 s1, $0x2  }
0xb9: {  	s3 =	sand.u32 $0x4000, s31;
	s1 =	sadd.s32 s1, s30  }
0xba: {  	s0 =	sor.u32 s3, s0;
	s1 =	sshll.u32 s1, $0x11  }
0xbb: {  	s0 =	sor.u32 s1, s0  }
0xbc: {  	s0 =	sadd.s32 $0x8F2B, s0  }
0xbd: {  	[sflag:s0] =	ssyncadd.remote.s32 $0x1  }
0xbe: {  	_ =	sfence.sel $0xFFFF  }
0xbf: {  	[dreg:$0x0] =	wrdreg $0xFFFFFFFF;
	(pc) =	sbr.abs _section_cstart, $3  }
0xc0: {  	[dreg:$0x1] =	wrdreg $0xFFFFFFFF  }
0xc1: {  	_ =	task.clear_ibuf [dreg:s7], $0x2FFFF;
	_ =	strace $0x9FFFFFFF  }
0xc2: {  	(tm) =	ssettm $0x7FFFFFFF  }
0xc3: {  	_ =	shalt  }
tec
execute0_lowered:
.L_overlay_start_1:
0x0: {  	(tag) =	ssettag $0x1  }
0x1: {  	s0 =	srdreg.scid  }
0x2: {  	s2 =	stileid.u32;
	s4 =	rddreg [dreg:$0x1]  }
0x3: {  	s3 =	simm.s32 $0x0;
	s5 =	simm.s32 $0x1;
	s0 =	sand.u32 $0x1, s0  }
0x4: {  	s28 =	simm.s32 $0x15620;
	s29 =	simm.s32 $0x2;
	s1 =	sshll.u32 s0, $0x4  }
0x5: {  	s30 =	simm.s32 $0x18700;
	s1 =	sor.u32 s2, s1;
	s2 =	sand.u32 $0x7, s2  }
0x6: {  	s31 =	simm.s32 $0x3;
	p0 =	seq.s32 s1, $0x0;
	p1 =	sne.s32 s2, $0x0  }
0x7: {  	[smem:$0x7FF] =	sst s3;
	s6 =	sadd.s32 $0x800, s4;
	p0 =	por !p1, !p0  }
0x8: {  	s4 =	sadd.s32 $0x9C00, s4;
	s0 =	ssub.s32 $0x2, s0;
	p0 =	por !p0, !p0  }
0x9: {  	s9 =	sshrl.u32 s0, $0x1;
	s1 =	sshrl.u32 s1, $0x3;
	s5 =	simm.s32 @!p0 $0x0  }
0xa: {  	s0 =	ssub.s32 s0, s9;
	s2 =	sshll.u32 s2, $0x4;
	s1 =	ssub.s32 s1, s5  }
0xb: {  	s0 =	smax.u32 s0, $0x1;
	s7 =	smul.u32 $0x12540, s1;
	s1 =	sshll.u32 s1, $0x7  }
0xc: {  	_ =	strace $0x80000047;
	[dreg:$0xf] =	wrdreg s0;
	s1 =	sor.u32 s2, s1  }
0xd: {  	s5 =	simm.s32 $0x1;
	[dreg:$0x3] =	wrdreg s1;
	s10 =	sadd.s32 $0x61C0, s7  }
0xe: {  	s11 =	sshrl.u32 s7, $0x3;
	s8 =	sadd.s32 $0xC380, s7;
	s13 =	sadd.s32 $0x1870, s7  }
0xf: {  	s14 =	sadd.s32 $0x7A30, s7;
	s15 =	sadd.s32 $0xDBF0, s7;
	s18 =	sadd.s32 $0x30E0, s7  }
0x10: {  	s19 =	sadd.s32 $0x92A0, s7;
	s20 =	sadd.s32 $0xF460, s7;
	s23 =	sadd.s32 $0x4950, s7  }
0x11: {  	s24 =	sadd.s32 $0xAB10, s7;
	s7 =	sadd.s32 $0x10CD0, s7;
	s1 =	sshrl.u32 s10, $0x3  }
0x12: {  	s2 =	sadd.s32 s6, s11;
	s12 =	sshrl.u32 s8, $0x3;
	s17 =	sshrl.u32 s15, $0x3  }
0x13: {  	s22 =	sshrl.u32 s20, $0x3;
	s26 =	sshrl.u32 s7, $0x3;
	s20 =	simm.s32 $0x5  }
0x14: {  	[dreg:$0x4] =	wrdreg s2;
	s1 =	sadd.s32 s6, s1;
	s2 =	sshrl.u32 s14, $0x3  }
0x15: {  	[dreg:$0x5] =	wrdreg s1;
	s1 =	sadd.s32 s6, s12;
	s16 =	sadd.s32 s6, s2  }
0x16: {  	s2 =	sshrl.u32 s19, $0x3;
	[dreg:$0x6] =	wrdreg s1;
	s1 =	sshrl.u32 s13, $0x3  }
0x17: {  	[dreg:$0x8] =	wrdreg s16;
	s21 =	sadd.s32 s6, s2;
	s2 =	sshrl.u32 s24, $0x3  }
0x18: {  	s24 =	simm.s32 $0x10CD0;
	s1 =	sadd.s32 s6, s1;
	[dreg:$0xb] =	wrdreg s21  }
0x19: {  	s25 =	sadd.s32 s6, s2;
	[dreg:$0x7] =	wrdreg s1;
	s1 =	sadd.s32 s6, s17  }
0x1a: {  	v0 =	vlaneseq.u32;
	s21 =	simm.s32 $0xC380;
	[dreg:$0x9] =	wrdreg s1;
	s1 =	sshrl.u32 s18, $0x3  }
0x1b: {  	v1 =	vand.u32 $0x3, v0;
	s2 =	simm.s32 $0x0;
	[dreg:$0xe] =	wrdreg s25;
	s1 =	sadd.s32 s6, s1  }
0x1c: {  	v0 =	vmul.u32 $0x2, v0;
	v5 =	vmul.u32 $0x2, v1;
	s25 =	simm.s32 $0x12540;
	[dreg:$0xa] =	wrdreg s1;
	s1 =	sadd.s32 s6, s22  }
0x1d: {  	s18 =	sadd.s32 s6, s26;
	[dreg:$0xc] =	wrdreg s1;
	s1 =	sshrl.u32 s23, $0x3  }
0x1e: {  	v1 =	vor.u32 $0x1, v0;
	v2 =	vor.u32 $0xFFFFFF98, v5;
	s26 =	simm.s32 $0x13DB0;
	s22 =	simm.s32 $0xDBF0;
	s1 =	sadd.s32 s6, s1  }
0x1f: {  	v3 =	vor.u32 $0xFFFFFFB8, v5;
	v4 =	vor.u32 $0xFFFFFFD8, v5;
	v5 =	vor.u32 $0xFFFFFFF8, v5;
	s23 =	simm.s32 $0xF460;
	[dreg:$0xd] =	wrdreg s1;
	s1 =	simm.s32 $0x4  }
.LBB2_1:
0x20: {  	[dreg:$0x10] =	wrdreg s2;
	s19 =	simm.s32 $0x0  }
.LBB2_2:
0x21: {  	s0 =	rddreg [dreg:$0x3]  }
0x22: {  	s0 =	sadd.s32 s0, s19  }
0x23: {  	s0 =	smul.u32 $0xC350, s0;
	_ =	sdelay $0x1  }
0x24: {  	s6 =	rddreg [dreg:$0x0];
	s2 =	sshrl.u32 s0, $0x3  }
0x25: {  	s6 =	sadd.s32 s6, s2  }
0x26: {  	[tilespmem:s3], [sflag:$0x5] =	stream.linear.gather [hbm4b:s6+s3], $0xC350, $0x38;
	[tilespmem:$0x1B7E0] =	vst v63  }
0x27: {  	_ =	swait.ge [sflag:s20], $0xC350  }
0x28: {  	[sflag:s20] =	ssyncset.done $0x0  }
0x29: {  	s10 =	rddreg [dreg:$0x4];
	[sflag:s20] =	ssyncadd.s32 $0xFFFF3CB0  }
0x2a: {  	[tilespmem:s21], [sflag:$0x1] =	stream.linear.gather [hbm4b:s10+s3], $0x1870, $0x38;
	[tilespmem:$0x1B7E0] =	vst v63  }
0x2b: {  	s11 =	rddreg [dreg:$0x5]  }
0x2c: {  	[tilespmem:s22], [sflag:$0x1] =	stream.linear.gather [hbm4b:s11+s3], $0x1870, $0x38;
	[tilespmem:$0x1B7E0] =	vst v63  }
0x2d: {  	s12 =	rddreg [dreg:$0x6]  }
0x2e: {  	[tilespmem:s23], [sflag:$0x1] =	stream.linear.gather [hbm4b:s12+s3], $0x1870, $0x38;
	[tilespmem:$0x1B7E0] =	vst v63  }
0x2f: {  	s13 =	rddreg [dreg:$0x7]  }
0x30: {  	[tilespmem:s24], [sflag:$0x2] =	stream.linear.gather [hbm4b:s13+s3], $0x1870, $0x38;
	[tilespmem:$0x1B7E0] =	vst v63  }
0x31: {  	s14 =	rddreg [dreg:$0x8]  }
0x32: {  	[tilespmem:s25], [sflag:$0x2] =	stream.linear.gather [hbm4b:s14+s3], $0x1870, $0x38;
	[tilespmem:$0x1B7E0] =	vst v63  }
0x33: {  	s15 =	rddreg [dreg:$0x9]  }
0x34: {  	[tilespmem:s26], [sflag:$0x2] =	stream.linear.gather [hbm4b:s15+s3], $0x1870, $0x38;
	[tilespmem:$0x1B7E0] =	vst v63  }
0x35: {  	_ =	swait.ge [sflag:s5], $0x1870  }
0x36: {  	[sflag:s5] =	ssyncset.done $0x0  }
0x37: {  	[sflag:s5] =	ssyncadd.s32 $0xFFFFE790  }
0x38: {  	_ =	swait.ge [sflag:s5], $0x1870  }
0x39: {  	[sflag:s5] =	ssyncset.done $0x0  }
0x3a: {  	[sflag:s5] =	ssyncadd.s32 $0xFFFFE790  }
0x3b: {  	_ =	swait.ge [sflag:s5], $0x1870  }
0x3c: {  	[sflag:s5] =	ssyncset.done $0x0  }
0x3d: {  	s9 =	simm.s32 $0xC3A0;
	[sflag:s5] =	ssyncadd.s32 $0xFFFFE790  }
0x3e: {  	s6 =	simm.s32 $0xDC10;
	v6 =	vld [tilespmem:s9+$0x10]  }
0x3f: {  	s7 =	simm.s32 $0xF480;
	v7 =	vld [tilespmem:s6+$0x10]  }
0x40: {  	s8 =	simm.s32 $0x60;
	v8 =	vld [tilespmem:s7+$0x10]  }
0x41: {  	v16 =	vor.u32 s8, v0;
	v9 =	vld [tilespmem:s6+$0xFFFFFFE0]  }
0x42: {  	v17 =	vor.u32 s8, v1;
	v10 =	vld [tilespmem:s7+$0xFFFFFFE0]  }
0x43: {  	v11 =	vld [tilespmem:s9+$0xFFFFFFF0]  }
0x44: {  	v13 =	vld [tilespmem:s6+$0xFFFFFFF0]  }
0x45: {  	v15 =	vld [tilespmem:s7+$0xFFFFFFF0];
	v12 =	vand.u32 $0xFFFF, v6  }
0x46: {  	v21 =	vld.idx.msk [tilespmem:v16+s3+$0x0], $0xffff;
	v14 =	vand.u32 $0xFFFF, v7  }
0x47: {  	v22 =	vld.idx.msk [tilespmem:v17+s3+$0x0], $0xffff;
	v18 =	vand.u32 $0xFFFF, v8  }
0x48: {  	v28 =	vld [tilespmem:s6+$0x0];
	v6 =	vshrl.u32 v6, $0x10  }
0x49: {  	v29 =	vld [tilespmem:s7+$0x0];
	v7 =	vshrl.u32 v7, $0x10  }
0x4a: {  	v8 =	vshrl.u32 v8, $0x10;
	v23 =	vld.idx.msk [tilespmem:v12+s3+$0x0], $0xffff  }
0x4b: {  	v24 =	vld.idx.msk [tilespmem:v14+s3+$0x0], $0xffff  }
0x4c: {  	v18 =	vld.idx.msk [tilespmem:v18+s3+$0x0], $0xffff  }
0x4d: {  	v19 =	vand.u32 $0xFFFF, v13;
	v25 =	vld.idx.msk [tilespmem:v6+s3+$0x0], $0xffff  }
0x4e: {  	v26 =	vld.idx.msk [tilespmem:v7+s3+$0x0], $0xffff;
	v6 =	vand.u32 $0xFFFF, v9  }
0x4f: {  	v27 =	vld.idx.msk [tilespmem:v8+s3+$0x0], $0xffff;
	v7 =	vand.u32 $0xFFFF, v10  }
0x50: {  	v8 =	vld [tilespmem:s9+$0x0];
	v9 =	vshrl.u32 v9, $0x10  }
0x51: {  	v10 =	vshrl.u32 v10, $0x10;
	v14 =	vld [tilespmem:s9+$0xFFFFFFE0]  }
0x52: {  	v12 =	vand.u32 $0xFFFF, v11;
	v34 =	vld.idx.msk [tilespmem:v19+s3+$0x0], $0xffff  }
0x53: {  	v30 =	vld.idx.msk [tilespmem:v6+s3+$0x0], $0xffff;
	v6 =	vand.u32 $0xFFFF, v15  }
0x54: {  	v31 =	vld.idx.msk [tilespmem:v7+s3+$0x0], $0xffff;
	v7 =	vshrl.u32 v11, $0x10  }
0x55: {  	v32 =	vld.idx.msk [tilespmem:v9+s3+$0x0], $0xffff;
	v9 =	vshrl.u32 v13, $0x10  }
0x56: {  	v33 =	vld.idx.msk [tilespmem:v10+s3+$0x0], $0xffff;
	v10 =	vand.u32 $0xFFFF, v14  }
0x57: {  	v12 =	vld.idx.msk [tilespmem:v12+s3+$0x0], $0xffff;
	v11 =	vshrl.u32 v14, $0x10  }
0x58: {  	v13 =	vshrl.u32 v15, $0x10;
	v35 =	vld.idx.msk [tilespmem:v6+s3+$0x0], $0xffff  }
0x59: {  	v15 =	vshrl.u32 v8, $0x10;
	v14 =	vld.idx.msk [tilespmem:v7+s3+$0x0], $0xffff  }
0x5a: {  	v6 =	vand.u32 $0xFFFF, v8;
	v36 =	vld.idx.msk [tilespmem:v9+s3+$0x0], $0xffff  }
0x5b: {  	v7 =	vand.u32 $0xFFFF, v28;
	v20 =	vld.idx.msk [tilespmem:v10+s3+$0x0], $0xffff  }
0x5c: {  	v9 =	vand.u32 $0xFFFF, v29;
	v19 =	vld.idx.msk [tilespmem:v11+s3+$0x0], $0xffff  }
0x5d: {  	v28 =	vshrl.u32 v28, $0x10;
	v37 =	vld.idx.msk [tilespmem:v13+s3+$0x0], $0xffff  }
0x5e: {  	s16 =	simm.s32 $0x0;
	v29 =	vshrl.u32 v29, $0x10;
	v15 =	vld.idx.msk [tilespmem:v15+s3+$0x0], $0xffff  }
0x5f: {  	v11 =	vor.u32 s16, v0;
	v13 =	vld.idx.msk [tilespmem:v6+s3+$0x0], $0xffff  }
0x60: {  	s10 =	simm.s32 $0x20;
	v10 =	vor.u32 s16, v1;
	v38 =	vld.idx.msk [tilespmem:v7+s3+$0x0], $0xffff  }
0x61: {  	v8 =	vor.u32 s10, v0;
	v39 =	vld.idx.msk [tilespmem:v9+s3+$0x0], $0xffff  }
0x62: {  	s17 =	simm.s32 $0x40;
	v9 =	vor.u32 s10, v1;
	v40 =	vld.idx.msk [tilespmem:v28+s3+$0x0], $0xffff  }
0x63: {  	v7 =	vor.u32 s17, v0;
	v41 =	vld.idx.msk [tilespmem:v29+s3+$0x0], $0xffff  }
0x64: {  	v21 =	vmax.f32 v21, v23;
	v18 =	vmax.f32 v24, v18;
	v6 =	vor.u32 s17, v1;
	v29 =	vld.idx.msk [tilespmem:v11+s3+$0x0], $0xffff  }
0x65: {  	v18 =	vmax.f32 v21, v18;
	v21 =	vmax.f32 v22, v25;
	v22 =	vmax.f32 v26, v27;
	v28 =	vld.idx.msk [tilespmem:v10+s3+$0x0], $0xffff  }
0x66: {  	[tilespmem:v16+s28+$0x0] =	vst.idx.msk $0xffff, v18;
	v16 =	vmax.f32 v21, v22;
	v27 =	vld.idx.msk [tilespmem:v8+s3+$0x0], $0xffff  }
0x67: {  	[tilespmem:v17+s28+$0x0] =	vst.idx.msk $0xffff, v16;
	v26 =	vld.idx.msk [tilespmem:v9+s3+$0x0], $0xffff  }
0x68: {  	s11 =	simm.s32 $0xDBC0;
	s12 =	simm.s32 $0xF430;
	s13 =	simm.s32 $0x0;
	v25 =	vmax.f32 v30, v31;
	v24 =	vmax.f32 v32, v33;
	v22 =	vmax.f32 v34, v35;
	v21 =	vld.idx.msk [tilespmem:v7+s3+$0x0], $0xffff  }
0x69: {  	s14 =	simm.s32 $0xC3E0;
	s9 =	simm.s32 $0x10CA0;
	s10 =	simm.s32 $0x3080;
	v16 =	vmax.f32 v36, v37;
	v17 =	vmax.f32 v38, v39;
	v23 =	vld.idx.msk [tilespmem:v6+s3+$0x0], $0xffff;
	v18 =	vmax.f32 v40, v41  }
.LBB2_3:
0x6a: {  	v30 =	vld [tilespmem:s14+$0x10];
	v20 =	vmax.f32 v29, v20;
	s6 =	sadd.s32 $0x40, s6  }
0x6b: {  	v19 =	vmax.f32 v28, v19;
	s7 =	sadd.s32 $0x40, s7;
	v29 =	vld [tilespmem:s6+$0x10];
	v20 =	vmax.f32 v20, v25  }
0x6c: {  	s8 =	sadd.s32 $0x80, s8;
	v12 =	vmax.f32 v27, v12;
	v25 =	vld [tilespmem:s7+$0x10];
	[tilespmem:v11+s28+$0x0] =	vst.idx.msk $0xffff, v20;
	v11 =	vmax.f32 v19, v24  }
0x6d: {  	s15 =	sadd.s32 $0xFFFFFFA0, s8;
	s16 =	sadd.s32 $0xFFFFFFC0, s8;
	s17 =	sadd.s32 $0xFFFFFFE0, s8;
	v20 =	vor.u32 s8, v0;
	v12 =	vmax.f32 v12, v22;
	v14 =	vmax.f32 v26, v14;
	v19 =	vld [tilespmem:s6+$0xFFFFFFE0];
	[tilespmem:v10+s28+$0x0] =	vst.idx.msk $0xffff, v11  }
0x6e: {  	v24 =	vor.u32 s8, v1;
	v11 =	vor.u32 s15, v0;
	v10 =	vor.u32 s15, v1;
	v22 =	vld [tilespmem:s7+$0xFFFFFFE0];
	[tilespmem:v8+s28+$0x0] =	vst.idx.msk $0xffff, v12  }
0x6f: {  	s13 =	sadd.s32 $0x4, s13;
	v26 =	vor.u32 s16, v1;
	v8 =	vor.u32 s16, v0;
	v12 =	vld [tilespmem:s14+$0xFFFFFFF0];
	v27 =	vand.u32 $0xFFFF, v30  }
0x70: {  	p0 =	slt.u32 s13, $0x180;
	v31 =	vor.u32 s17, v0;
	v32 =	vor.u32 s17, v1;
	v28 =	vld [tilespmem:s6+$0xFFFFFFF0];
	v33 =	vand.u32 $0xFFFF, v29  }
0x71: {  	v13 =	vmax.f32 v21, v13;
	v15 =	vmax.f32 v23, v15;
	v34 =	vld [tilespmem:s7+$0xFFFFFFF0];
	v35 =	vand.u32 $0xFFFF, v25  }
0x72: {  	v23 =	vshrl.u32 v30, $0x10;
	v21 =	vshrl.u32 v19, $0x10;
	v19 =	vand.u32 $0xFFFF, v19;
	v30 =	vld.idx.msk [tilespmem:v20+s3+$0x0], $0xffff  }
0x73: {  	v29 =	vshrl.u32 v29, $0x10;
	v36 =	vshrl.u32 v22, $0x10;
	v22 =	vand.u32 $0xFFFF, v22;
	v37 =	vld.idx.msk [tilespmem:v24+s3+$0x0], $0xffff  }
0x74: {  	v25 =	vshrl.u32 v25, $0x10;
	v38 =	vshrl.u32 v12, $0x10;
	v12 =	vand.u32 $0xFFFF, v12;
	v27 =	vld.idx.msk [tilespmem:v27+s3+$0x0], $0xffff  }
0x75: {  	v14 =	vmax.f32 v14, v16;
	v39 =	vshrl.u32 v28, $0x10;
	v28 =	vand.u32 $0xFFFF, v28;
	v33 =	vld.idx.msk [tilespmem:v33+s3+$0x0], $0xffff  }
0x76: {  	v17 =	vmax.f32 v13, v17;
	v16 =	vshrl.u32 v34, $0x10;
	v34 =	vand.u32 $0xFFFF, v34;
	v35 =	vld.idx.msk [tilespmem:v35+s3+$0x0], $0xffff;
	[tilespmem:v9+s28+$0x0] =	vst.idx.msk $0xffff, v14  }
0x77: {  	v14 =	vmax.f32 v15, v18;
	v9 =	vmov v26;
	v13 =	vld.idx.msk [tilespmem:v23+s3+$0x0], $0xffff;
	[tilespmem:v7+s28+$0x0] =	vst.idx.msk $0xffff, v17;
	v7 =	vmov v31  }
0x78: {  	v15 =	vld.idx.msk [tilespmem:v29+s3+$0x0], $0xffff;
	[tilespmem:v6+s28+$0x0] =	vst.idx.msk $0xffff, v14;
	v6 =	vmov v32  }
0x79: {  	v14 =	vld.idx.msk [tilespmem:v25+s3+$0x0], $0xffff  }
0x7a: {  	v17 =	vld [tilespmem:s14+$0x0]  }
0x7b: {  	v18 =	vld [tilespmem:s6+$0x0]  }
0x7c: {  	v23 =	vld [tilespmem:s7+$0x0]  }
0x7d: {  	v25 =	vld [tilespmem:s14+$0xFFFFFFE0]  }
0x7e: {  	v26 =	vmax.f32 v30, v27;
	v27 =	vmax.f32 v33, v35;
	v19 =	vld.idx.msk [tilespmem:v19+s3+$0x0], $0xffff  }
0x7f: {  	v26 =	vmax.f32 v26, v27;
	v13 =	vmax.f32 v37, v13;
	v14 =	vmax.f32 v15, v14;
	v22 =	vld.idx.msk [tilespmem:v22+s3+$0x0], $0xffff  }
0x80: {  	v13 =	vmax.f32 v13, v14;
	v15 =	vld.idx.msk [tilespmem:v21+s3+$0x0], $0xffff;
	v21 =	vshrl.u32 v17, $0x10;
	v27 =	vshrl.u32 v18, $0x10;
	[tilespmem:v20+s28+$0x0] =	vst.idx.msk $0xffff, v26  }
0x81: {  	v17 =	vand.u32 $0xFFFF, v17;
	v18 =	vand.u32 $0xFFFF, v18;
	v26 =	vld.idx.msk [tilespmem:v36+s3+$0x0], $0xffff;
	v29 =	vshrl.u32 v23, $0x10;
	[tilespmem:v24+s28+$0x0] =	vst.idx.msk $0xffff, v13  }
0x82: {  	v23 =	vand.u32 $0xFFFF, v23;
	v13 =	vshrl.u32 v25, $0x10;
	v20 =	vand.u32 $0xFFFF, v25;
	v12 =	vld.idx.msk [tilespmem:v12+s3+$0x0], $0xffff  }
0x83: {  	v28 =	vld.idx.msk [tilespmem:v28+s3+$0x0], $0xffff  }
0x84: {  	v30 =	vld.idx.msk [tilespmem:v34+s3+$0x0], $0xffff  }
0x85: {  	v25 =	vmax.f32 v19, v22;
	v14 =	vld.idx.msk [tilespmem:v38+s3+$0x0], $0xffff  }
0x86: {  	v31 =	vld.idx.msk [tilespmem:v39+s3+$0x0], $0xffff  }
0x87: {  	v24 =	vmax.f32 v15, v26;
	v20 =	vld.idx.msk [tilespmem:v20+s3+$0x0], $0xffff  }
0x88: {  	v19 =	vld.idx.msk [tilespmem:v13+s3+$0x0], $0xffff  }
0x89: {  	v16 =	vld.idx.msk [tilespmem:v16+s3+$0x0], $0xffff  }
0x8a: {  	v22 =	vmax.f32 v28, v30;
	v13 =	vld.idx.msk [tilespmem:v17+s3+$0x0], $0xffff  }
0x8b: {  	v17 =	vld.idx.msk [tilespmem:v18+s3+$0x0], $0xffff  }
0x8c: {  	v18 =	vld.idx.msk [tilespmem:v23+s3+$0x0], $0xffff  }
0x8d: {  	v15 =	vld.idx.msk [tilespmem:v21+s3+$0x0], $0xffff  }
0x8e: {  	v30 =	vld.idx.msk [tilespmem:v27+s3+$0x0], $0xffff  }
0x8f: {  	v16 =	vmax.f32 v31, v16;
	v31 =	vld.idx.msk [tilespmem:v29+s3+$0x0], $0xffff  }
0x90: {  	v29 =	vld.idx.msk [tilespmem:v11+s3+$0x0], $0xffff  }
.Ltmp0:
0x91: {  	v28 =	vld.idx.msk [tilespmem:v10+s3+$0x0], $0xffff;
	(pc) =	sbr.rel @p0 .LBB2_3-.Ltmp0, $4  }
0x92: {  	v17 =	vmax.f32 v17, v18;
	v27 =	vld.idx.msk [tilespmem:v8+s3+$0x0], $0xffff  }
0x93: {  	v26 =	vld.idx.msk [tilespmem:v9+s3+$0x0], $0xffff  }
0x94: {  	v21 =	vld.idx.msk [tilespmem:v7+s3+$0x0], $0xffff  }
0x95: {  	s14 =	sadd.s32 $0x40, s14;
	v18 =	vmax.f32 v30, v31;
	v23 =	vld.idx.msk [tilespmem:v6+s3+$0x0], $0xffff  }
0x96: {  	_ =	sdelay $0x1  }
0x97: {  	v20 =	vmax.f32 v29, v20  }
0x98: {  	v19 =	vmax.f32 v28, v19;
	v20 =	vmax.f32 v20, v25  }
0x99: {  	v58 =	vmax.f32 v19, v24;
	v12 =	vmax.f32 v27, v12;
	[tilespmem:v11+s28+$0x0] =	vst.idx.msk $0xffff, v20  }
0x9a: {  	v59 =	vmax.f32 v12, v22;
	v60 =	vmax.f32 v26, v14;
	[tilespmem:v10+s28+$0x0] =	vst.idx.msk $0xffff, v58  }
0x9b: {  	[tilespmem:v8+s28+$0x0] =	vst.idx.msk $0xffff, v59;
	v61 =	vmax.f32 v21, v13;
	v62 =	vmax.f32 v60, v16  }
0x9c: {  	v63 =	vmax.f32 v23, v15;
	[tilespmem:v9+s28+$0x0] =	vst.idx.msk $0xffff, v62;
	v8 =	vmax.f32 v61, v17  }
0x9d: {  	[tilespmem:v7+s28+$0x0] =	vst.idx.msk $0xffff, v8;
	v7 =	vmax.f32 v63, v18  }
0x9e: {  	[tilespmem:v6+s28+$0x0] =	vst.idx.msk $0xffff, v7  }
.LBB2_5:
0x9f: {  	v6 =	vld [tilespmem:s11+$0x0]  }
0xa0: {  	v7 =	vld [tilespmem:s12+$0x0]  }
0xa1: {  	v8 =	vld [tilespmem:s9+$0x0]  }
0xa2: {  	v9 =	vor.u32 s10, v0  }
0xa3: {  	v10 =	vor.u32 s10, v1  }
0xa4: {  	v11 =	vand.u32 $0xFFFF, v6  }
0xa5: {  	v12 =	vand.u32 $0xFFFF, v7  }
0xa6: {  	v13 =	vand.u32 $0xFFFF, v8  }
0xa7: {  	v6 =	vshrl.u32 v6, $0x10;
	v14 =	vld.idx.msk [tilespmem:v9+s3+$0x0], $0xffff  }
0xa8: {  	v7 =	vshrl.u32 v7, $0x10;
	v15 =	vld.idx.msk [tilespmem:v10+s3+$0x0], $0xffff  }
0xa9: {  	v8 =	vshrl.u32 v8, $0x10;
	v11 =	vld.idx.msk [tilespmem:v11+s3+$0x0], $0xffff  }
0xaa: {  	v12 =	vld.idx.msk [tilespmem:v12+s3+$0x0], $0xffff  }
0xab: {  	v13 =	vld.idx.msk [tilespmem:v13+s3+$0x0], $0xffff  }
0xac: {  	v6 =	vld.idx.msk [tilespmem:v6+s3+$0x0], $0xffff  }
0xad: {  	v7 =	vld.idx.msk [tilespmem:v7+s3+$0x0], $0xffff  }
0xae: {  	v8 =	vld.idx.msk [tilespmem:v8+s3+$0x0], $0xffff;
	_ =	sdelay $0x1  }
0xaf: {  	p0 =	sne.s32 s10, $0x30C0  }
.Ltmp1:
0xb0: {  	_ = 	snop;
	(pc) =	sbr.rel @p0 .LBB2_5-.Ltmp1, $4  }
0xb1: {  	v11 =	vmax.f32 v14, v11;
	v12 =	vmax.f32 v12, v13  }
0xb2: {  	v6 =	vmax.f32 v15, v6;
	v7 =	vmax.f32 v7, v8;
	v11 =	vmax.f32 v11, v12  }
0xb3: {  	s11 =	sadd.s32 $0x10, s11;
	v6 =	vmax.f32 v6, v7;
	[tilespmem:v9+s28+$0x0] =	vst.idx.msk $0xffff, v11  }
0xb4: {  	s12 =	sadd.s32 $0x10, s12;
	s9 =	sadd.s32 $0x10, s9;
	s10 =	sadd.s32 $0x20, s10;
	[tilespmem:v10+s28+$0x0] =	vst.idx.msk $0xffff, v6  }
0xb5: {  	s2 =	sadd.s32 s4, s2  }
0xb6: {  	[hbm4b:s2+s3] =	stream.linear.scatter [tilespmem:s28], [sflag:$0x3], $0x30E0, $0x38;
	[tilespmem:$0x1B7E0] =	vst v63  }
0xb7: {  	s11 =	rddreg [dreg:$0xa]  }
0xb8: {  	[tilespmem:s21], [sflag:$0x1] =	stream.linear.gather [hbm4b:s11+s3], $0x1870, $0x38;
	[tilespmem:$0x1B7E0] =	vst v63  }
0xb9: {  	s12 =	rddreg [dreg:$0xb]  }
0xba: {  	[tilespmem:s22], [sflag:$0x1] =	stream.linear.gather [hbm4b:s12+s3], $0x1870, $0x38;
	[tilespmem:$0x1B7E0] =	vst v63  }
0xbb: {  	s13 =	rddreg [dreg:$0xc]  }
0xbc: {  	[tilespmem:s23], [sflag:$0x1] =	stream.linear.gather [hbm4b:s13+s3], $0x1870, $0x38;
	[tilespmem:$0x1B7E0] =	vst v63  }
0xbd: {  	_ =	swait.ge [sflag:s29], $0x1870  }
0xbe: {  	[sflag:s29] =	ssyncset.done $0x0  }
0xbf: {  	[sflag:s29] =	ssyncadd.s32 $0xFFFFE790  }
0xc0: {  	_ =	swait.ge [sflag:s29], $0x1870  }
0xc1: {  	[sflag:s29] =	ssyncset.done $0x0  }
0xc2: {  	[sflag:s29] =	ssyncadd.s32 $0xFFFFE790  }
0xc3: {  	_ =	swait.ge [sflag:s29], $0x1870  }
0xc4: {  	[sflag:s29] =	ssyncset.done $0x0  }
0xc5: {  	s8 =	simm.s32 $0x10CF0;
	[sflag:s29] =	ssyncadd.s32 $0xFFFFE790  }
0xc6: {  	s2 =	simm.s32 $0x12560;
	v6 =	vld [tilespmem:s8+$0x10]  }
0xc7: {  	s6 =	simm.s32 $0x13DD0;
	v7 =	vld [tilespmem:s2+$0x10]  }
0xc8: {  	s7 =	simm.s32 $0x3140;
	v8 =	vld [tilespmem:s6+$0x10]  }
0xc9: {  	v10 =	vor.u32 s7, v0;
	v9 =	vld [tilespmem:s2+$0xFFFFFFE0]  }
0xca: {  	v12 =	vor.u32 s7, v1;
	v11 =	vld [tilespmem:s6+$0xFFFFFFE0]  }
0xcb: {  	v13 =	vld [tilespmem:s8+$0xFFFFFFF0]  }
0xcc: {  	v15 =	vld [tilespmem:s2+$0xFFFFFFF0]  }
0xcd: {  	v17 =	vld [tilespmem:s6+$0xFFFFFFF0]  }
0xce: {  	v19 =	vld.idx.msk [tilespmem:v10+s3+$0x0], $0xffff  }
0xcf: {  	v20 =	vld.idx.msk [tilespmem:v12+s3+$0x0], $0xffff;
	v14 =	vand.u32 $0xFFFF, v6  }
0xd0: {  	v21 =	vld [tilespmem:s8+$0x0];
	v16 =	vand.u32 $0xFFFF, v7  }
0xd1: {  	v22 =	vld [tilespmem:s2+$0x0];
	v18 =	vand.u32 $0xFFFF, v8  }
0xd2: {  	v23 =	vld [tilespmem:s6+$0x0];
	v6 =	vshrl.u32 v6, $0x10  }
0xd3: {  	v25 =	vld [tilespmem:s8+$0xFFFFFFE0];
	v7 =	vshrl.u32 v7, $0x10  }
0xd4: {  	v8 =	vshrl.u32 v8, $0x10;
	v14 =	vld.idx.msk [tilespmem:v14+s3+$0x0], $0xffff  }
0xd5: {  	v10 =	vand.u32 $0xFFFF, v9;
	v16 =	vld.idx.msk [tilespmem:v16+s3+$0x0], $0xffff  }
0xd6: {  	v12 =	vand.u32 $0xFFFF, v11;
	v18 =	vld.idx.msk [tilespmem:v18+s3+$0x0], $0xffff  }
0xd7: {  	v9 =	vshrl.u32 v9, $0x10;
	v6 =	vld.idx.msk [tilespmem:v6+s3+$0x0], $0xffff  }
0xd8: {  	v11 =	vshrl.u32 v11, $0x10;
	v7 =	vld.idx.msk [tilespmem:v7+s3+$0x0], $0xffff  }
0xd9: {  	v24 =	vand.u32 $0xFFFF, v13;
	v8 =	vld.idx.msk [tilespmem:v8+s3+$0x0], $0xffff  }
0xda: {  	v26 =	vand.u32 $0xFFFF, v15;
	v27 =	vld.idx.msk [tilespmem:v10+s3+$0x0], $0xffff  }
0xdb: {  	v31 =	vand.u32 $0xFFFF, v22;
	v28 =	vld.idx.msk [tilespmem:v12+s3+$0x0], $0xffff  }
0xdc: {  	v22 =	vshrl.u32 v22, $0x10;
	v29 =	vld.idx.msk [tilespmem:v9+s3+$0x0], $0xffff  }
0xdd: {  	v10 =	vand.u32 $0xFFFF, v17;
	v30 =	vld.idx.msk [tilespmem:v11+s3+$0x0], $0xffff  }
0xde: {  	v12 =	vshrl.u32 v13, $0x10;
	v13 =	vld.idx.msk [tilespmem:v24+s3+$0x0], $0xffff  }
0xdf: {  	v9 =	vshrl.u32 v15, $0x10;
	v34 =	vld.idx.msk [tilespmem:v26+s3+$0x0], $0xffff  }
0xe0: {  	v11 =	vand.u32 $0xFFFF, v25;
	v37 =	vld.idx.msk [tilespmem:v31+s3+$0x0], $0xffff  }
0xe1: {  	v24 =	vshrl.u32 v25, $0x10;
	v44 =	vld.idx.msk [tilespmem:v22+s3+$0x0], $0xffff  }
0xe2: {  	s14 =	simm.s32 $0x30E0;
	v17 =	vshrl.u32 v17, $0x10;
	v35 =	vld.idx.msk [tilespmem:v10+s3+$0x0], $0xffff  }
0xe3: {  	v31 =	vor.u32 s14, v1;
	v15 =	vld.idx.msk [tilespmem:v12+s3+$0x0], $0xffff  }
0xe4: {  	v10 =	vand.u32 $0xFFFF, v21;
	v36 =	vld.idx.msk [tilespmem:v9+s3+$0x0], $0xffff  }
0xe5: {  	v9 =	vand.u32 $0xFFFF, v23;
	v26 =	vld.idx.msk [tilespmem:v11+s3+$0x0], $0xffff  }
0xe6: {  	v11 =	vshrl.u32 v21, $0x10;
	v25 =	vld.idx.msk [tilespmem:v24+s3+$0x0], $0xffff  }
0xe7: {  	s10 =	simm.s32 $0x3100;
	v17 =	vld.idx.msk [tilespmem:v17+s3+$0x0], $0xffff;
	v23 =	vshrl.u32 v23, $0x10  }
0xe8: {  	s9 =	simm.s32 $0x60;
	s15 =	simm.s32 $0x3120;
	v39 =	vor.u32 s10, v0;
	v40 =	vor.u32 s10, v1;
	v24 =	vor.u32 s14, v0;
	v33 =	vld.idx.msk [tilespmem:v31+s3+$0x0], $0xffff  }
0xe9: {  	v42 =	vor.u32 s15, v0;
	v43 =	vor.u32 s9, v1;
	v12 =	vld.idx.msk [tilespmem:v10+s3+$0x0], $0xffff;
	v10 =	vor.u32 s9, v0  }
0xea: {  	s16 =	simm.s32 $0x20;
	v45 =	vor.u32 s15, v1;
	s11 =	simm.s32 $0x0;
	v6 =	vmax.f32 v20, v6;
	v38 =	vld.idx.msk [tilespmem:v9+s3+$0x0], $0xffff;
	v41 =	vand.u32 v5, v10  }
0xeb: {  	v7 =	vmax.f32 v7, v8;
	v8 =	vor.u32 s16, v1;
	v21 =	vld.idx.msk [tilespmem:v11+s3+$0x0], $0xffff;
	v9 =	vor.u32 s11, v0  }
0xec: {  	v31 =	vmax.f32 v27, v28;
	v11 =	vor.u32 s16, v0;
	v46 =	vld.idx.msk [tilespmem:v23+s3+$0x0], $0xffff;
	v10 =	vand.u32 v2, v9  }
0xed: {  	v32 =	vld.idx.msk [tilespmem:v24+s3+$0x0], $0xffff;
	v9 =	vand.u32 v3, v11;
	v11 =	vmax.f32 v19, v14;
	v14 =	vmax.f32 v16, v18  }
0xee: {  	v30 =	vmax.f32 v29, v30;
	v27 =	vld.idx.msk [tilespmem:v42+s3+$0x0], $0xffff;
	v29 =	vmax.f32 v34, v35;
	v14 =	vmax.f32 v11, v14  }
0xef: {  	s17 =	simm.s32 $0x40;
	v22 =	vmax.f32 v36, v17;
	v16 =	vld.idx.msk [tilespmem:v39+s3+$0x0], $0xffff;
	[tilespmem:v41+s30+$0x0] =	vst.idx.msk $0xffff, v14;
	v14 =	vmax.f32 v6, v7  }
0xf0: {  	s10 =	simm.s32 $0x13D80;
	s12 =	simm.s32 $0x10D30;
	v18 =	vor.u32 s17, v0;
	v11 =	vor.u32 s11, v1;
	v23 =	vmax.f32 v37, v38;
	[tilespmem:v43+s30+$0x0] =	vst.idx.msk $0xffff, v14;
	v14 =	vld.idx.msk [tilespmem:v40+s3+$0x0], $0xffff  }
0xf1: {  	s8 =	simm.s32 $0x155F0;
	v28 =	vld.idx.msk [tilespmem:v45+s3+$0x0], $0xffff;
	s9 =	simm.s32 $0x12510;
	s11 =	simm.s32 $0x0;
	v24 =	vmax.f32 v44, v46;
	v6 =	vand.u32 v4, v18;
	v7 =	vor.u32 s17, v1  }
.LBB2_7:
0xf2: {  	v34 =	vld [tilespmem:s12+$0x10];
	v17 =	vmax.f32 v32, v26;
	s2 =	sadd.s32 $0x40, s2  }
0xf3: {  	v18 =	vmax.f32 v33, v25;
	s6 =	sadd.s32 $0x40, s6;
	v26 =	vld [tilespmem:s2+$0x10];
	v17 =	vmax.f32 v17, v31  }
0xf4: {  	s7 =	sadd.s32 $0x80, s7;
	v13 =	vmax.f32 v16, v13;
	v25 =	vld [tilespmem:s6+$0x10];
	[tilespmem:v10+s30+$0x0] =	vst.idx.msk $0xffff, v17;
	v10 =	vmax.f32 v18, v30  }
0xf5: {  	s13 =	sadd.s32 $0xFFFFFFA0, s7;
	s14 =	sadd.s32 $0xFFFFFFC0, s7;
	s15 =	sadd.s32 $0xFFFFFFE0, s7;
	v31 =	vor.u32 s7, v0;
	v30 =	vld [tilespmem:s2+$0xFFFFFFE0];
	[tilespmem:v11+s30+$0x0] =	vst.idx.msk $0xffff, v10;
	v10 =	vmax.f32 v13, v29;
	v11 =	vmax.f32 v14, v15  }
0xf6: {  	s16 =	sadd.s32 $0xFFFFCEC0, s7;
	s17 =	sadd.s32 $0xFFFFCEE0, s7;
	v16 =	vor.u32 s13, v0;
	v14 =	vor.u32 s13, v1;
	s13 =	sadd.s32 $0xFFFFCF00, s7;
	v15 =	vor.u32 s7, v1;
	v13 =	vld [tilespmem:s6+$0xFFFFFFE0];
	[tilespmem:v9+s30+$0x0] =	vst.idx.msk $0xffff, v10  }
0xf7: {  	s11 =	sadd.s32 $0x4, s11;
	v18 =	vor.u32 s14, v0;
	v17 =	vor.u32 s14, v1;
	v9 =	vld [tilespmem:s12+$0xFFFFFFF0];
	v10 =	vand.u32 $0xFFFF, v34  }
0xf8: {  	p0 =	slt.u32 s11, $0x180;
	v20 =	vor.u32 s15, v0;
	v19 =	vor.u32 s15, v1;
	v29 =	vld [tilespmem:s2+$0xFFFFFFF0];
	v32 =	vand.u32 $0xFFFF, v26  }
0xf9: {  	v12 =	vmax.f32 v27, v12;
	v21 =	vmax.f32 v28, v21;
	v33 =	vld [tilespmem:s6+$0xFFFFFFF0];
	v35 =	vand.u32 $0xFFFF, v25  }
0xfa: {  	v27 =	vshrl.u32 v30, $0x10;
	v28 =	vand.u32 $0xFFFF, v30;
	v30 =	vshrl.u32 v34, $0x10;
	v31 =	vld.idx.msk [tilespmem:v31+s3+$0x0], $0xffff  }
0xfb: {  	v26 =	vshrl.u32 v26, $0x10;
	v34 =	vshrl.u32 v13, $0x10;
	v13 =	vand.u32 $0xFFFF, v13;
	v15 =	vld.idx.msk [tilespmem:v15+s3+$0x0], $0xffff  }
0xfc: {  	v25 =	vshrl.u32 v25, $0x10;
	v36 =	vshrl.u32 v9, $0x10;
	v37 =	vand.u32 $0xFFFF, v9;
	v38 =	vld.idx.msk [tilespmem:v10+s3+$0x0], $0xffff  }
0xfd: {  	v9 =	vor.u32 s16, v0;
	v39 =	vshrl.u32 v29, $0x10;
	v29 =	vand.u32 $0xFFFF, v29;
	v32 =	vld.idx.msk [tilespmem:v32+s3+$0x0], $0xffff  }
0xfe: {  	v41 =	vor.u32 s17, v0;
	v40 =	vshrl.u32 v33, $0x10;
	v33 =	vand.u32 $0xFFFF, v33;
	v35 =	vld.idx.msk [tilespmem:v35+s3+$0x0], $0xffff  }
0xff: {  	v42 =	vor.u32 s13, v0;
	v22 =	vmax.f32 v11, v22;
	v12 =	vmax.f32 v12, v23;
	v30 =	vld.idx.msk [tilespmem:v30+s3+$0x0], $0xffff  }
0x100: {  	v21 =	vmax.f32 v21, v24;
	v10 =	vand.u32 v2, v9;
	v9 =	vand.u32 v3, v41;
	v23 =	vld.idx.msk [tilespmem:v26+s3+$0x0], $0xffff  }
0x101: {  	s14 =	sadd.s32 $0xFFFFCF20, s7;
	v11 =	vor.u32 s16, v1;
	v24 =	vand.u32 v4, v42;
	v25 =	vld.idx.msk [tilespmem:v25+s3+$0x0], $0xffff;
	[tilespmem:v8+s30+$0x0] =	vst.idx.msk $0xffff, v22;
	v8 =	vor.u32 s17, v1  }
0x102: {  	v41 =	vor.u32 s14, v0;
	v26 =	vor.u32 s13, v1;
	v22 =	vld [tilespmem:s12+$0x0];
	[tilespmem:v6+s30+$0x0] =	vst.idx.msk $0xffff, v12;
	v6 =	vmov v24  }
0x103: {  	v24 =	vand.u32 v5, v41;
	v12 =	vld [tilespmem:s2+$0x0];
	[tilespmem:v7+s30+$0x0] =	vst.idx.msk $0xffff, v21;
	v7 =	vmov v26  }
0x104: {  	v26 =	vor.u32 s14, v1;
	v21 =	vld [tilespmem:s6+$0x0]  }
0x105: {  	v41 =	vld [tilespmem:s12+$0xFFFFFFE0]  }
0x106: {  	v31 =	vmax.f32 v31, v38;
	v32 =	vmax.f32 v32, v35;
	v28 =	vld.idx.msk [tilespmem:v28+s3+$0x0], $0xffff  }
0x107: {  	v15 =	vmax.f32 v15, v30;
	v23 =	vmax.f32 v23, v25;
	v35 =	vld.idx.msk [tilespmem:v13+s3+$0x0], $0xffff;
	v13 =	vmax.f32 v31, v32  }
0x108: {  	v25 =	vld.idx.msk [tilespmem:v27+s3+$0x0], $0xffff;
	v27 =	vshrl.u32 v22, $0x10;
	v32 =	vshrl.u32 v12, $0x10;
	[tilespmem:v24+s30+$0x0] =	vst.idx.msk $0xffff, v13;
	v13 =	vmax.f32 v15, v23  }
0x109: {  	s13 =	simm.s32 $0x3080;
	v22 =	vand.u32 $0xFFFF, v22;
	v23 =	vld.idx.msk [tilespmem:v34+s3+$0x0], $0xffff;
	v24 =	vshrl.u32 v21, $0x10;
	v34 =	vand.u32 $0xFFFF, v12;
	[tilespmem:v26+s30+$0x0] =	vst.idx.msk $0xffff, v13  }
0x10a: {  	v21 =	vand.u32 $0xFFFF, v21;
	v12 =	vshrl.u32 v41, $0x10;
	v26 =	vand.u32 $0xFFFF, v41;
	v13 =	vld.idx.msk [tilespmem:v37+s3+$0x0], $0xffff  }
0x10b: {  	v29 =	vld.idx.msk [tilespmem:v29+s3+$0x0], $0xffff  }
0x10c: {  	v33 =	vld.idx.msk [tilespmem:v33+s3+$0x0], $0xffff  }
0x10d: {  	v31 =	vmax.f32 v28, v35;
	v15 =	vld.idx.msk [tilespmem:v36+s3+$0x0], $0xffff  }
0x10e: {  	v28 =	vld.idx.msk [tilespmem:v39+s3+$0x0], $0xffff  }
0x10f: {  	v30 =	vmax.f32 v25, v23;
	v26 =	vld.idx.msk [tilespmem:v26+s3+$0x0], $0xffff  }
0x110: {  	v25 =	vld.idx.msk [tilespmem:v12+s3+$0x0], $0xffff  }
0x111: {  	v23 =	vld.idx.msk [tilespmem:v40+s3+$0x0], $0xffff  }
0x112: {  	v29 =	vmax.f32 v29, v33;
	v12 =	vld.idx.msk [tilespmem:v22+s3+$0x0], $0xffff  }
0x113: {  	v34 =	vld.idx.msk [tilespmem:v34+s3+$0x0], $0xffff  }
0x114: {  	v35 =	vld.idx.msk [tilespmem:v21+s3+$0x0], $0xffff  }
0x115: {  	v21 =	vld.idx.msk [tilespmem:v27+s3+$0x0], $0xffff  }
0x116: {  	v36 =	vld.idx.msk [tilespmem:v32+s3+$0x0], $0xffff  }
0x117: {  	v22 =	vmax.f32 v28, v23;
	v24 =	vld.idx.msk [tilespmem:v24+s3+$0x0], $0xffff  }
0x118: {  	v32 =	vld.idx.msk [tilespmem:v16+s3+$0x0], $0xffff  }
.Ltmp2:
0x119: {  	v33 =	vld.idx.msk [tilespmem:v14+s3+$0x0], $0xffff;
	(pc) =	sbr.rel @p0 .LBB2_7-.Ltmp2, $4  }
0x11a: {  	v23 =	vmax.f32 v34, v35;
	v16 =	vld.idx.msk [tilespmem:v18+s3+$0x0], $0xffff  }
0x11b: {  	v14 =	vld.idx.msk [tilespmem:v17+s3+$0x0], $0xffff  }
0x11c: {  	v27 =	vld.idx.msk [tilespmem:v20+s3+$0x0], $0xffff  }
0x11d: {  	s12 =	sadd.s32 $0x40, s12;
	v24 =	vmax.f32 v36, v24;
	v28 =	vld.idx.msk [tilespmem:v19+s3+$0x0], $0xffff  }
0x11e: {  	_ =	sdelay $0x1  }
0x11f: {  	v17 =	vmax.f32 v32, v26  }
0x120: {  	v18 =	vmax.f32 v33, v25;
	v17 =	vmax.f32 v17, v31  }
0x121: {  	v57 =	vmax.f32 v18, v30;
	v13 =	vmax.f32 v16, v13;
	[tilespmem:v10+s30+$0x0] =	vst.idx.msk $0xffff, v17  }
0x122: {  	v58 =	vmax.f32 v13, v29;
	v59 =	vmax.f32 v14, v15;
	[tilespmem:v11+s30+$0x0] =	vst.idx.msk $0xffff, v57  }
0x123: {  	[tilespmem:v9+s30+$0x0] =	vst.idx.msk $0xffff, v58;
	v60 =	vmax.f32 v27, v12;
	v61 =	vmax.f32 v59, v22  }
0x124: {  	v62 =	vmax.f32 v28, v21;
	v9 =	vmax.f32 v60, v23;
	[tilespmem:v8+s30+$0x0] =	vst.idx.msk $0xffff, v61  }
0x125: {  	v63 =	vmax.f32 v62, v24;
	[tilespmem:v6+s30+$0x0] =	vst.idx.msk $0xffff, v9  }
0x126: {  	[tilespmem:v7+s30+$0x0] =	vst.idx.msk $0xffff, v63  }
.LBB2_9:
0x127: {  	v6 =	vld [tilespmem:s9+$0x0]  }
0x128: {  	v7 =	vld [tilespmem:s10+$0x0]  }
0x129: {  	v8 =	vld [tilespmem:s8+$0x0];
	s2 =	sadd.s32 $0x30E0, s13  }
0x12a: {  	v9 =	vor.u32 s2, v0  }
0x12b: {  	v10 =	vor.u32 s2, v1  }
0x12c: {  	v11 =	vand.u32 $0xFFFF, v6  }
0x12d: {  	v12 =	vand.u32 $0xFFFF, v7  }
0x12e: {  	v13 =	vand.u32 $0xFFFF, v8  }
0x12f: {  	v6 =	vshrl.u32 v6, $0x10;
	v9 =	vld.idx.msk [tilespmem:v9+s3+$0x0], $0xffff  }
0x130: {  	v7 =	vshrl.u32 v7, $0x10;
	v10 =	vld.idx.msk [tilespmem:v10+s3+$0x0], $0xffff  }
0x131: {  	v8 =	vshrl.u32 v8, $0x10;
	v11 =	vld.idx.msk [tilespmem:v11+s3+$0x0], $0xffff  }
0x132: {  	v12 =	vld.idx.msk [tilespmem:v12+s3+$0x0], $0xffff  }
0x133: {  	v13 =	vld.idx.msk [tilespmem:v13+s3+$0x0], $0xffff  }
0x134: {  	v6 =	vld.idx.msk [tilespmem:v6+s3+$0x0], $0xffff  }
0x135: {  	v7 =	vld.idx.msk [tilespmem:v7+s3+$0x0], $0xffff  }
0x136: {  	v14 =	vor.u32 s13, v0;
	v8 =	vld.idx.msk [tilespmem:v8+s3+$0x0], $0xffff  }
0x137: {  	v14 =	vand.u32 v5, v14  }
0x138: {  	v15 =	vor.u32 s13, v1;
	p0 =	sne.s32 s13, $0x30C0  }
.Ltmp3:
0x139: {  	_ = 	snop;
	(pc) =	sbr.rel @p0 .LBB2_9-.Ltmp3, $4  }
0x13a: {  	v9 =	vmax.f32 v9, v11;
	v63 =	vmax.f32 v12, v13  }
0x13b: {  	v6 =	vmax.f32 v10, v6;
	v7 =	vmax.f32 v7, v8;
	v9 =	vmax.f32 v9, v63  }
0x13c: {  	s9 =	sadd.s32 $0x10, s9;
	v6 =	vmax.f32 v6, v7;
	[tilespmem:v14+s30+$0x0] =	vst.idx.msk $0xffff, v9  }
0x13d: {  	s10 =	sadd.s32 $0x10, s10;
	s8 =	sadd.s32 $0x10, s8;
	s13 =	sadd.s32 $0x20, s13;
	[tilespmem:v15+s30+$0x0] =	vst.idx.msk $0xffff, v6  }
0x13e: {  	s2 =	sadd.s32 $0x30E0, s0  }
0x13f: {  	s2 =	sshrl.u32 s2, $0x3  }
0x140: {  	s2 =	sadd.s32 s4, s2  }
0x141: {  	[hbm4b:s2+s3] =	stream.linear.scatter [tilespmem:s30], [sflag:$0x4], $0x30E0, $0x38;
	[tilespmem:$0x1B7E0] =	vst v63  }
0x142: {  	s12 =	rddreg [dreg:$0xd]  }
0x143: {  	[tilespmem:s24], [sflag:$0x2] =	stream.linear.gather [hbm4b:s12+s3], $0x1870, $0x38;
	[tilespmem:$0x1B7E0] =	vst v63  }
0x144: {  	s13 =	rddreg [dreg:$0xe]  }
0x145: {  	[tilespmem:s25], [sflag:$0x2] =	stream.linear.gather [hbm4b:s13+s3], $0x1870, $0x38;
	[tilespmem:$0x1B7E0] =	vst v63  }
0x146: {  	_ = 	snop  }
0x147: {  	[tilespmem:s26], [sflag:$0x2] =	stream.linear.gather [hbm4b:s18+s3], $0x1870, $0x38;
	[tilespmem:$0x1B7E0] =	vst v63  }
0x148: {  	_ =	swait.ge [sflag:s5], $0x1870  }
0x149: {  	[sflag:s5] =	ssyncset.done $0x0  }
0x14a: {  	[sflag:s5] =	ssyncadd.s32 $0xFFFFE790  }
0x14b: {  	_ =	swait.ge [sflag:s5], $0x1870  }
0x14c: {  	[sflag:s5] =	ssyncset.done $0x0  }
0x14d: {  	[sflag:s5] =	ssyncadd.s32 $0xFFFFE790  }
0x14e: {  	_ =	swait.ge [sflag:s5], $0x1870  }
0x14f: {  	[sflag:s5] =	ssyncset.done $0x0  }
0x150: {  	[sflag:s5] =	ssyncadd.s32 $0xFFFFE790  }
0x151: {  	_ =	swait.ge [sflag:s31], $0x30E0  }
0x152: {  	[sflag:s31] =	ssyncset.done $0x0  }
0x153: {  	s8 =	simm.s32 $0xC3A0;
	[sflag:s31] =	ssyncadd.s32 $0xFFFFCF20  }
0x154: {  	s2 =	simm.s32 $0xDC10;
	v6 =	vld [tilespmem:s8+$0x10]  }
0x155: {  	s6 =	simm.s32 $0xF480;
	v7 =	vld [tilespmem:s2+$0x10]  }
0x156: {  	s7 =	simm.s32 $0x6220;
	v8 =	vld [tilespmem:s6+$0x10]  }
0x157: {  	v10 =	vor.u32 s7, v0;
	v9 =	vld [tilespmem:s2+$0xFFFFFFE0]  }
0x158: {  	v12 =	vor.u32 s7, v1;
	v11 =	vld [tilespmem:s6+$0xFFFFFFE0]  }
0x159: {  	v13 =	vld [tilespmem:s8+$0xFFFFFFF0]  }
0x15a: {  	v15 =	vld [tilespmem:s2+$0xFFFFFFF0]  }
0x15b: {  	v17 =	vld [tilespmem:s6+$0xFFFFFFF0]  }
0x15c: {  	v19 =	vld.idx.msk [tilespmem:v10+s3+$0x0], $0xffff  }
0x15d: {  	v12 =	vld.idx.msk [tilespmem:v12+s3+$0x0], $0xffff;
	v14 =	vand.u32 $0xFFFF, v6  }
0x15e: {  	v21 =	vld [tilespmem:s8+$0x0];
	v16 =	vand.u32 $0xFFFF, v7  }
0x15f: {  	v22 =	vld [tilespmem:s2+$0x0];
	v18 =	vand.u32 $0xFFFF, v8  }
0x160: {  	v23 =	vld [tilespmem:s6+$0x0];
	v6 =	vshrl.u32 v6, $0x10  }
0x161: {  	v25 =	vld [tilespmem:s8+$0xFFFFFFE0];
	v7 =	vshrl.u32 v7, $0x10  }
0x162: {  	v8 =	vshrl.u32 v8, $0x10;
	v14 =	vld.idx.msk [tilespmem:v14+s3+$0x0], $0xffff  }
0x163: {  	v10 =	vand.u32 $0xFFFF, v9;
	v20 =	vld.idx.msk [tilespmem:v16+s3+$0x0], $0xffff  }
0x164: {  	v9 =	vshrl.u32 v9, $0x10;
	v18 =	vld.idx.msk [tilespmem:v18+s3+$0x0], $0xffff  }
0x165: {  	v26 =	vand.u32 $0xFFFF, v15;
	v6 =	vld.idx.msk [tilespmem:v6+s3+$0x0], $0xffff  }
0x166: {  	v24 =	vand.u32 $0xFFFF, v13;
	v13 =	vshrl.u32 v13, $0x10;
	v7 =	vld.idx.msk [tilespmem:v7+s3+$0x0], $0xffff  }
0x167: {  	v31 =	vand.u32 $0xFFFF, v22;
	v8 =	vld.idx.msk [tilespmem:v8+s3+$0x0], $0xffff  }
0x168: {  	v22 =	vshrl.u32 v22, $0x10;
	v27 =	vld.idx.msk [tilespmem:v10+s3+$0x0], $0xffff  }
0x169: {  	v16 =	vand.u32 $0xFFFF, v11;
	v29 =	vld.idx.msk [tilespmem:v9+s3+$0x0], $0xffff  }
0x16a: {  	v11 =	vshrl.u32 v11, $0x10;
	v34 =	vld.idx.msk [tilespmem:v26+s3+$0x0], $0xffff  }
0x16b: {  	v30 =	vshrl.u32 v17, $0x10;
	v10 =	vand.u32 $0xFFFF, v17;
	v17 =	vld.idx.msk [tilespmem:v13+s3+$0x0], $0xffff  }
0x16c: {  	v37 =	vld.idx.msk [tilespmem:v31+s3+$0x0], $0xffff  }
0x16d: {  	s14 =	simm.s32 $0x61C0;
	v9 =	vshrl.u32 v15, $0x10;
	v44 =	vld.idx.msk [tilespmem:v22+s3+$0x0], $0xffff  }
0x16e: {  	v31 =	vor.u32 s14, v1;
	v28 =	vld.idx.msk [tilespmem:v16+s3+$0x0], $0xffff  }
0x16f: {  	v15 =	vld.idx.msk [tilespmem:v11+s3+$0x0], $0xffff;
	v11 =	vand.u32 $0xFFFF, v25  }
0x170: {  	v16 =	vld.idx.msk [tilespmem:v24+s3+$0x0], $0xffff;
	v24 =	vshrl.u32 v25, $0x10  }
0x171: {  	v35 =	vld.idx.msk [tilespmem:v10+s3+$0x0], $0xffff  }
0x172: {  	v10 =	vand.u32 $0xFFFF, v21;
	v36 =	vld.idx.msk [tilespmem:v9+s3+$0x0], $0xffff  }
0x173: {  	v9 =	vand.u32 $0xFFFF, v23;
	v33 =	vld.idx.msk [tilespmem:v31+s3+$0x0], $0xffff  }
0x174: {  	s15 =	simm.s32 $0x6200;
	v23 =	vshrl.u32 v23, $0x10;
	v26 =	vld.idx.msk [tilespmem:v11+s3+$0x0], $0xffff  }
0x175: {  	v42 =	vor.u32 s15, v0;
	v25 =	vld.idx.msk [tilespmem:v24+s3+$0x0], $0xffff  }
0x176: {  	s10 =	simm.s32 $0x61E0;
	v11 =	vshrl.u32 v21, $0x10;
	v24 =	vld.idx.msk [tilespmem:v30+s3+$0x0], $0xffff  }
0x177: {  	s9 =	simm.s32 $0x60;
	v39 =	vor.u32 s10, v0;
	v13 =	vld.idx.msk [tilespmem:v10+s3+$0x0], $0xffff;
	v30 =	vor.u32 s14, v0  }
0x178: {  	v40 =	vor.u32 s10, v1;
	v45 =	vor.u32 s15, v1;
	v10 =	vor.u32 s9, v0;
	v38 =	vld.idx.msk [tilespmem:v9+s3+$0x0], $0xffff  }
0x179: {  	s11 =	simm.s32 $0x0;
	v43 =	vor.u32 s9, v1;
	v6 =	vmax.f32 v12, v6;
	v46 =	vld.idx.msk [tilespmem:v23+s3+$0x0], $0xffff;
	v41 =	vand.u32 v5, v10  }
0x17a: {  	s16 =	simm.s32 $0x20;
	s17 =	simm.s32 $0x40;
	v7 =	vmax.f32 v7, v8;
	v9 =	vor.u32 s11, v0;
	v31 =	vmax.f32 v27, v28;
	v27 =	vld.idx.msk [tilespmem:v42+s3+$0x0], $0xffff  }
0x17b: {  	v12 =	vor.u32 s17, v0;
	v10 =	vand.u32 v2, v9;
	v21 =	vld.idx.msk [tilespmem:v11+s3+$0x0], $0xffff;
	v11 =	vor.u32 s16, v0  }
0x17c: {  	v32 =	vld.idx.msk [tilespmem:v30+s3+$0x0], $0xffff;
	v9 =	vand.u32 v3, v11;
	v11 =	vmax.f32 v19, v14;
	v14 =	vmax.f32 v20, v18  }
0x17d: {  	v8 =	vor.u32 s16, v1;
	v28 =	vld.idx.msk [tilespmem:v45+s3+$0x0], $0xffff;
	v30 =	vmax.f32 v29, v15;
	v14 =	vmax.f32 v11, v14  }
0x17e: {  	v29 =	vmax.f32 v34, v35;
	v22 =	vmax.f32 v36, v24;
	[tilespmem:v41+s28+$0x0] =	vst.idx.msk $0xffff, v14;
	v14 =	vld.idx.msk [tilespmem:v39+s3+$0x0], $0xffff  }
0x17f: {  	v18 =	vmax.f32 v6, v7;
	v6 =	vand.u32 v4, v12;
	v12 =	vld.idx.msk [tilespmem:v40+s3+$0x0], $0xffff;
	v11 =	vor.u32 s11, v1  }
0x180: {  	s10 =	simm.s32 $0xC3E0;
	s8 =	simm.s32 $0x9240;
	s9 =	simm.s32 $0x0;
	v23 =	vmax.f32 v37, v38;
	v24 =	vmax.f32 v44, v46;
	v7 =	vor.u32 s17, v1;
	[tilespmem:v43+s28+$0x0] =	vst.idx.msk $0xffff, v18  }
.LBB2_11:
0x181: {  	v34 =	vld [tilespmem:s10+$0x10];
	v15 =	vmax.f32 v32, v26;
	s2 =	sadd.s32 $0x40, s2  }
0x182: {  	v18 =	vmax.f32 v33, v25;
	s6 =	sadd.s32 $0x40, s6;
	v26 =	vld [tilespmem:s2+$0x10];
	v15 =	vmax.f32 v15, v31  }
0x183: {  	s7 =	sadd.s32 $0x80, s7;
	v14 =	vmax.f32 v14, v16;
	v25 =	vld [tilespmem:s6+$0x10];
	[tilespmem:v10+s28+$0x0] =	vst.idx.msk $0xffff, v15;
	v10 =	vmax.f32 v18, v30  }
0x184: {  	s11 =	sadd.s32 $0xFFFFFFA0, s7;
	s12 =	sadd.s32 $0xFFFFFFC0, s7;
	s13 =	sadd.s32 $0xFFFFFFE0, s7;
	v30 =	vor.u32 s7, v0;
	v16 =	vld [tilespmem:s2+$0xFFFFFFE0];
	[tilespmem:v11+s28+$0x0] =	vst.idx.msk $0xffff, v10;
	v10 =	vmax.f32 v14, v29;
	v11 =	vmax.f32 v12, v17  }
0x185: {  	s14 =	sadd.s32 $0xFFFF9DE0, s7;
	s15 =	sadd.s32 $0xFFFF9E00, s7;
	v14 =	vor.u32 s11, v0;
	v12 =	vor.u32 s11, v1;
	s11 =	sadd.s32 $0xFFFF9E20, s7;
	v29 =	vor.u32 s7, v1;
	v17 =	vld [tilespmem:s6+$0xFFFFFFE0];
	[tilespmem:v9+s28+$0x0] =	vst.idx.msk $0xffff, v10  }
0x186: {  	s9 =	sadd.s32 $0x4, s9;
	v18 =	vor.u32 s12, v0;
	v15 =	vor.u32 s12, v1;
	v9 =	vld [tilespmem:s10+$0xFFFFFFF0];
	v10 =	vand.u32 $0xFFFF, v34  }
0x187: {  	p0 =	slt.u32 s9, $0x180;
	v20 =	vor.u32 s13, v0;
	v19 =	vor.u32 s13, v1;
	v31 =	vld [tilespmem:s2+$0xFFFFFFF0];
	v32 =	vand.u32 $0xFFFF, v26  }
0x188: {  	v13 =	vmax.f32 v27, v13;
	v21 =	vmax.f32 v28, v21;
	v33 =	vld [tilespmem:s6+$0xFFFFFFF0];
	v35 =	vand.u32 $0xFFFF, v25  }
0x189: {  	v28 =	vshrl.u32 v34, $0x10;
	v27 =	vshrl.u32 v16, $0x10;
	v16 =	vand.u32 $0xFFFF, v16;
	v30 =	vld.idx.msk [tilespmem:v30+s3+$0x0], $0xffff  }
0x18a: {  	v26 =	vshrl.u32 v26, $0x10;
	v34 =	vshrl.u32 v17, $0x10;
	v17 =	vand.u32 $0xFFFF, v17;
	v29 =	vld.idx.msk [tilespmem:v29+s3+$0x0], $0xffff  }
0x18b: {  	v25 =	vshrl.u32 v25, $0x10;
	v36 =	vshrl.u32 v9, $0x10;
	v37 =	vand.u32 $0xFFFF, v9;
	v38 =	vld.idx.msk [tilespmem:v10+s3+$0x0], $0xffff  }
0x18c: {  	v9 =	vor.u32 s14, v0;
	v39 =	vshrl.u32 v31, $0x10;
	v31 =	vand.u32 $0xFFFF, v31;
	v32 =	vld.idx.msk [tilespmem:v32+s3+$0x0], $0xffff  }
0x18d: {  	v41 =	vor.u32 s15, v0;
	v40 =	vshrl.u32 v33, $0x10;
	v33 =	vand.u32 $0xFFFF, v33;
	v35 =	vld.idx.msk [tilespmem:v35+s3+$0x0], $0xffff  }
0x18e: {  	v42 =	vor.u32 s11, v0;
	v22 =	vmax.f32 v11, v22;
	v13 =	vmax.f32 v13, v23;
	v28 =	vld.idx.msk [tilespmem:v28+s3+$0x0], $0xffff  }
0x18f: {  	v21 =	vmax.f32 v21, v24;
	v10 =	vand.u32 v2, v9;
	v9 =	vand.u32 v3, v41;
	v23 =	vld.idx.msk [tilespmem:v26+s3+$0x0], $0xffff  }
0x190: {  	s12 =	sadd.s32 $0xFFFF9E40, s7;
	v11 =	vor.u32 s14, v1;
	v24 =	vand.u32 v4, v42;
	v25 =	vld.idx.msk [tilespmem:v25+s3+$0x0], $0xffff;
	[tilespmem:v8+s28+$0x0] =	vst.idx.msk $0xffff, v22;
	v8 =	vor.u32 s15, v1  }
0x191: {  	v41 =	vor.u32 s12, v0;
	v26 =	vor.u32 s11, v1;
	v22 =	vld [tilespmem:s10+$0x0];
	[tilespmem:v6+s28+$0x0] =	vst.idx.msk $0xffff, v13;
	v6 =	vmov v24  }
0x192: {  	v24 =	vand.u32 v5, v41;
	v13 =	vld [tilespmem:s2+$0x0];
	[tilespmem:v7+s28+$0x0] =	vst.idx.msk $0xffff, v21;
	v7 =	vmov v26  }
0x193: {  	v26 =	vor.u32 s12, v1;
	v21 =	vld [tilespmem:s6+$0x0]  }
0x194: {  	v41 =	vld [tilespmem:s10+$0xFFFFFFE0]  }
0x195: {  	v42 =	vld.idx.msk [tilespmem:v16+s3+$0x0], $0xffff;
	v16 =	vmax.f32 v30, v38;
	v30 =	vmax.f32 v32, v35  }
0x196: {  	v28 =	vmax.f32 v29, v28;
	v23 =	vmax.f32 v23, v25;
	v17 =	vld.idx.msk [tilespmem:v17+s3+$0x0], $0xffff;
	v16 =	vmax.f32 v16, v30  }
0x197: {  	s11 =	simm.s32 $0x10CA0;
	v25 =	vld.idx.msk [tilespmem:v27+s3+$0x0], $0xffff;
	v27 =	vshrl.u32 v22, $0x10;
	v32 =	vshrl.u32 v13, $0x10;
	[tilespmem:v24+s28+$0x0] =	vst.idx.msk $0xffff, v16;
	v16 =	vmax.f32 v28, v23  }
0x198: {  	s13 =	simm.s32 $0xF430;
	s12 =	simm.s32 $0xDBC0;
	v22 =	vand.u32 $0xFFFF, v22;
	v28 =	vand.u32 $0xFFFF, v13;
	v23 =	vld.idx.msk [tilespmem:v34+s3+$0x0], $0xffff;
	v24 =	vshrl.u32 v21, $0x10;
	[tilespmem:v26+s28+$0x0] =	vst.idx.msk $0xffff, v16  }
0x199: {  	v21 =	vand.u32 $0xFFFF, v21;
	v13 =	vshrl.u32 v41, $0x10;
	v26 =	vand.u32 $0xFFFF, v41;
	v16 =	vld.idx.msk [tilespmem:v37+s3+$0x0], $0xffff  }
0x19a: {  	v29 =	vld.idx.msk [tilespmem:v31+s3+$0x0], $0xffff  }
0x19b: {  	v33 =	vld.idx.msk [tilespmem:v33+s3+$0x0], $0xffff  }
0x19c: {  	v31 =	vmax.f32 v42, v17;
	v17 =	vld.idx.msk [tilespmem:v36+s3+$0x0], $0xffff  }
0x19d: {  	v34 =	vld.idx.msk [tilespmem:v39+s3+$0x0], $0xffff  }
0x19e: {  	v30 =	vmax.f32 v25, v23;
	v26 =	vld.idx.msk [tilespmem:v26+s3+$0x0], $0xffff  }
0x19f: {  	v25 =	vld.idx.msk [tilespmem:v13+s3+$0x0], $0xffff  }
0x1a0: {  	v23 =	vld.idx.msk [tilespmem:v40+s3+$0x0], $0xffff  }
0x1a1: {  	v29 =	vmax.f32 v29, v33;
	v13 =	vld.idx.msk [tilespmem:v22+s3+$0x0], $0xffff  }
0x1a2: {  	v28 =	vld.idx.msk [tilespmem:v28+s3+$0x0], $0xffff  }
0x1a3: {  	v35 =	vld.idx.msk [tilespmem:v21+s3+$0x0], $0xffff  }
0x1a4: {  	v21 =	vld.idx.msk [tilespmem:v27+s3+$0x0], $0xffff  }
0x1a5: {  	v36 =	vld.idx.msk [tilespmem:v32+s3+$0x0], $0xffff  }
0x1a6: {  	v22 =	vmax.f32 v34, v23;
	v24 =	vld.idx.msk [tilespmem:v24+s3+$0x0], $0xffff  }
0x1a7: {  	v32 =	vld.idx.msk [tilespmem:v14+s3+$0x0], $0xffff  }
.Ltmp4:
0x1a8: {  	v33 =	vld.idx.msk [tilespmem:v12+s3+$0x0], $0xffff;
	(pc) =	sbr.rel @p0 .LBB2_11-.Ltmp4, $4  }
0x1a9: {  	v23 =	vmax.f32 v28, v35;
	v14 =	vld.idx.msk [tilespmem:v18+s3+$0x0], $0xffff  }
0x1aa: {  	v12 =	vld.idx.msk [tilespmem:v15+s3+$0x0], $0xffff  }
0x1ab: {  	v27 =	vld.idx.msk [tilespmem:v20+s3+$0x0], $0xffff  }
0x1ac: {  	s10 =	sadd.s32 $0x40, s10;
	v24 =	vmax.f32 v36, v24;
	v28 =	vld.idx.msk [tilespmem:v19+s3+$0x0], $0xffff  }
0x1ad: {  	_ =	sdelay $0x1  }
0x1ae: {  	v15 =	vmax.f32 v32, v26  }
0x1af: {  	v18 =	vmax.f32 v33, v25;
	v15 =	vmax.f32 v15, v31  }
0x1b0: {  	v57 =	vmax.f32 v18, v30;
	v14 =	vmax.f32 v14, v16;
	[tilespmem:v10+s28+$0x0] =	vst.idx.msk $0xffff, v15  }
0x1b1: {  	v58 =	vmax.f32 v14, v29;
	v59 =	vmax.f32 v12, v17;
	[tilespmem:v11+s28+$0x0] =	vst.idx.msk $0xffff, v57  }
0x1b2: {  	[tilespmem:v9+s28+$0x0] =	vst.idx.msk $0xffff, v58;
	v60 =	vmax.f32 v27, v13;
	v61 =	vmax.f32 v59, v22  }
0x1b3: {  	v62 =	vmax.f32 v28, v21;
	v9 =	vmax.f32 v60, v23;
	[tilespmem:v8+s28+$0x0] =	vst.idx.msk $0xffff, v61  }
0x1b4: {  	v63 =	vmax.f32 v62, v24;
	[tilespmem:v6+s28+$0x0] =	vst.idx.msk $0xffff, v9  }
0x1b5: {  	[tilespmem:v7+s28+$0x0] =	vst.idx.msk $0xffff, v63  }
.LBB2_13:
0x1b6: {  	v6 =	vld [tilespmem:s12+$0x0]  }
0x1b7: {  	v7 =	vld [tilespmem:s13+$0x0]  }
0x1b8: {  	v8 =	vld [tilespmem:s11+$0x0]  }
0x1b9: {  	v9 =	vor.u32 s8, v0  }
0x1ba: {  	v10 =	vor.u32 s8, v1  }
0x1bb: {  	v11 =	vand.u32 $0xFFFF, v6  }
0x1bc: {  	v12 =	vand.u32 $0xFFFF, v7  }
0x1bd: {  	v13 =	vand.u32 $0xFFFF, v8  }
0x1be: {  	v6 =	vshrl.u32 v6, $0x10;
	v9 =	vld.idx.msk [tilespmem:v9+s3+$0x0], $0xffff  }
0x1bf: {  	v7 =	vshrl.u32 v7, $0x10;
	v10 =	vld.idx.msk [tilespmem:v10+s3+$0x0], $0xffff  }
0x1c0: {  	v8 =	vshrl.u32 v8, $0x10;
	v11 =	vld.idx.msk [tilespmem:v11+s3+$0x0], $0xffff  }
0x1c1: {  	v12 =	vld.idx.msk [tilespmem:v12+s3+$0x0], $0xffff  }
0x1c2: {  	v13 =	vld.idx.msk [tilespmem:v13+s3+$0x0], $0xffff  }
0x1c3: {  	v6 =	vld.idx.msk [tilespmem:v6+s3+$0x0], $0xffff  }
0x1c4: {  	s2 =	sadd.s32 $0xFFFF9E40, s8;
	v7 =	vld.idx.msk [tilespmem:v7+s3+$0x0], $0xffff  }
0x1c5: {  	v14 =	vor.u32 s2, v0;
	v8 =	vld.idx.msk [tilespmem:v8+s3+$0x0], $0xffff  }
0x1c6: {  	v14 =	vand.u32 v5, v14  }
0x1c7: {  	p0 =	sne.s32 s8, $0x9280;
	v15 =	vor.u32 s2, v1  }
.Ltmp5:
0x1c8: {  	_ = 	snop;
	(pc) =	sbr.rel @p0 .LBB2_13-.Ltmp5, $4  }
0x1c9: {  	v9 =	vmax.f32 v9, v11;
	v63 =	vmax.f32 v12, v13  }
0x1ca: {  	v6 =	vmax.f32 v10, v6;
	v7 =	vmax.f32 v7, v8;
	v9 =	vmax.f32 v9, v63  }
0x1cb: {  	s12 =	sadd.s32 $0x10, s12;
	v6 =	vmax.f32 v6, v7;
	[tilespmem:v14+s28+$0x0] =	vst.idx.msk $0xffff, v9  }
0x1cc: {  	s13 =	sadd.s32 $0x10, s13;
	s11 =	sadd.s32 $0x10, s11;
	s8 =	sadd.s32 $0x20, s8;
	[tilespmem:v15+s28+$0x0] =	vst.idx.msk $0xffff, v6  }
0x1cd: {  	s2 =	sadd.s32 $0x61C0, s0  }
0x1ce: {  	s2 =	sshrl.u32 s2, $0x3  }
0x1cf: {  	s2 =	sadd.s32 s4, s2  }
0x1d0: {  	[hbm4b:s2+s3] =	stream.linear.scatter [tilespmem:s28], [sflag:$0x3], $0x30E0, $0x38;
	[tilespmem:$0x1B7E0] =	vst v63  }
0x1d1: {  	_ =	swait.ge [sflag:s29], $0x1870  }
0x1d2: {  	[sflag:s29] =	ssyncset.done $0x0  }
0x1d3: {  	[sflag:s29] =	ssyncadd.s32 $0xFFFFE790  }
0x1d4: {  	_ =	swait.ge [sflag:s29], $0x1870  }
0x1d5: {  	[sflag:s29] =	ssyncset.done $0x0  }
0x1d6: {  	[sflag:s29] =	ssyncadd.s32 $0xFFFFE790  }
0x1d7: {  	_ =	swait.ge [sflag:s29], $0x1870  }
0x1d8: {  	[sflag:s29] =	ssyncset.done $0x0  }
0x1d9: {  	[sflag:s29] =	ssyncadd.s32 $0xFFFFE790  }
0x1da: {  	_ =	swait.ge [sflag:s1], $0x30E0  }
0x1db: {  	[sflag:s1] =	ssyncset.done $0x0  }
0x1dc: {  	s8 =	simm.s32 $0x10CF0;
	[sflag:s1] =	ssyncadd.s32 $0xFFFFCF20  }
0x1dd: {  	s2 =	simm.s32 $0x12560;
	v6 =	vld [tilespmem:s8+$0x10]  }
0x1de: {  	s6 =	simm.s32 $0x13DD0;
	v7 =	vld [tilespmem:s2+$0x10]  }
0x1df: {  	s7 =	simm.s32 $0x9300;
	v8 =	vld [tilespmem:s6+$0x10]  }
0x1e0: {  	v10 =	vor.u32 s7, v0;
	v9 =	vld [tilespmem:s2+$0xFFFFFFE0]  }
0x1e1: {  	v12 =	vor.u32 s7, v1;
	v11 =	vld [tilespmem:s6+$0xFFFFFFE0]  }
0x1e2: {  	v13 =	vld [tilespmem:s8+$0xFFFFFFF0]  }
0x1e3: {  	v15 =	vld [tilespmem:s2+$0xFFFFFFF0]  }
0x1e4: {  	v17 =	vld [tilespmem:s6+$0xFFFFFFF0]  }
0x1e5: {  	v19 =	vld.idx.msk [tilespmem:v10+s3+$0x0], $0xffff  }
0x1e6: {  	v12 =	vld.idx.msk [tilespmem:v12+s3+$0x0], $0xffff;
	v14 =	vand.u32 $0xFFFF, v6  }
0x1e7: {  	v21 =	vld [tilespmem:s8+$0x0];
	v16 =	vand.u32 $0xFFFF, v7  }
0x1e8: {  	v22 =	vld [tilespmem:s2+$0x0];
	v18 =	vand.u32 $0xFFFF, v8  }
0x1e9: {  	v23 =	vld [tilespmem:s6+$0x0];
	v6 =	vshrl.u32 v6, $0x10  }
0x1ea: {  	v25 =	vld [tilespmem:s8+$0xFFFFFFE0];
	v7 =	vshrl.u32 v7, $0x10  }
0x1eb: {  	v8 =	vshrl.u32 v8, $0x10;
	v14 =	vld.idx.msk [tilespmem:v14+s3+$0x0], $0xffff  }
0x1ec: {  	v10 =	vand.u32 $0xFFFF, v9;
	v20 =	vld.idx.msk [tilespmem:v16+s3+$0x0], $0xffff  }
0x1ed: {  	v9 =	vshrl.u32 v9, $0x10;
	v18 =	vld.idx.msk [tilespmem:v18+s3+$0x0], $0xffff  }
0x1ee: {  	v26 =	vand.u32 $0xFFFF, v15;
	v6 =	vld.idx.msk [tilespmem:v6+s3+$0x0], $0xffff  }
0x1ef: {  	v24 =	vand.u32 $0xFFFF, v13;
	v13 =	vshrl.u32 v13, $0x10;
	v7 =	vld.idx.msk [tilespmem:v7+s3+$0x0], $0xffff  }
0x1f0: {  	v31 =	vand.u32 $0xFFFF, v22;
	v8 =	vld.idx.msk [tilespmem:v8+s3+$0x0], $0xffff  }
0x1f1: {  	v22 =	vshrl.u32 v22, $0x10;
	v27 =	vld.idx.msk [tilespmem:v10+s3+$0x0], $0xffff  }
0x1f2: {  	v16 =	vand.u32 $0xFFFF, v11;
	v29 =	vld.idx.msk [tilespmem:v9+s3+$0x0], $0xffff  }
0x1f3: {  	v11 =	vshrl.u32 v11, $0x10;
	v34 =	vld.idx.msk [tilespmem:v26+s3+$0x0], $0xffff  }
0x1f4: {  	v30 =	vshrl.u32 v17, $0x10;
	v10 =	vand.u32 $0xFFFF, v17;
	v17 =	vld.idx.msk [tilespmem:v13+s3+$0x0], $0xffff  }
0x1f5: {  	v37 =	vld.idx.msk [tilespmem:v31+s3+$0x0], $0xffff  }
0x1f6: {  	s14 =	simm.s32 $0x92A0;
	v9 =	vshrl.u32 v15, $0x10;
	v44 =	vld.idx.msk [tilespmem:v22+s3+$0x0], $0xffff  }
0x1f7: {  	v31 =	vor.u32 s14, v1;
	v28 =	vld.idx.msk [tilespmem:v16+s3+$0x0], $0xffff  }
0x1f8: {  	v15 =	vld.idx.msk [tilespmem:v11+s3+$0x0], $0xffff;
	v11 =	vand.u32 $0xFFFF, v25  }
0x1f9: {  	v16 =	vld.idx.msk [tilespmem:v24+s3+$0x0], $0xffff;
	v24 =	vshrl.u32 v25, $0x10  }
0x1fa: {  	v35 =	vld.idx.msk [tilespmem:v10+s3+$0x0], $0xffff  }
0x1fb: {  	v10 =	vand.u32 $0xFFFF, v21;
	v36 =	vld.idx.msk [tilespmem:v9+s3+$0x0], $0xffff  }
0x1fc: {  	v9 =	vand.u32 $0xFFFF, v23;
	v33 =	vld.idx.msk [tilespmem:v31+s3+$0x0], $0xffff  }
0x1fd: {  	s15 =	simm.s32 $0x92E0;
	v23 =	vshrl.u32 v23, $0x10;
	v26 =	vld.idx.msk [tilespmem:v11+s3+$0x0], $0xffff  }
0x1fe: {  	v42 =	vor.u32 s15, v0;
	v25 =	vld.idx.msk [tilespmem:v24+s3+$0x0], $0xffff  }
0x1ff: {  	s10 =	simm.s32 $0x92C0;
	v11 =	vshrl.u32 v21, $0x10;
	v24 =	vld.idx.msk [tilespmem:v30+s3+$0x0], $0xffff  }
0x200: {  	s9 =	simm.s32 $0x60;
	v39 =	vor.u32 s10, v0;
	v13 =	vld.idx.msk [tilespmem:v10+s3+$0x0], $0xffff;
	v30 =	vor.u32 s14, v0  }
0x201: {  	v40 =	vor.u32 s10, v1;
	v45 =	vor.u32 s15, v1;
	v10 =	vor.u32 s9, v0;
	v38 =	vld.idx.msk [tilespmem:v9+s3+$0x0], $0xffff  }
0x202: {  	s11 =	simm.s32 $0x0;
	v43 =	vor.u32 s9, v1;
	v6 =	vmax.f32 v12, v6;
	v46 =	vld.idx.msk [tilespmem:v23+s3+$0x0], $0xffff;
	v41 =	vand.u32 v5, v10  }
0x203: {  	s16 =	simm.s32 $0x20;
	s17 =	simm.s32 $0x40;
	v7 =	vmax.f32 v7, v8;
	v9 =	vor.u32 s11, v0;
	v31 =	vmax.f32 v27, v28;
	v27 =	vld.idx.msk [tilespmem:v42+s3+$0x0], $0xffff  }
0x204: {  	v12 =	vor.u32 s17, v0;
	v10 =	vand.u32 v2, v9;
	v21 =	vld.idx.msk [tilespmem:v11+s3+$0x0], $0xffff;
	v11 =	vor.u32 s16, v0  }
0x205: {  	v32 =	vld.idx.msk [tilespmem:v30+s3+$0x0], $0xffff;
	v9 =	vand.u32 v3, v11;
	v11 =	vmax.f32 v19, v14;
	v14 =	vmax.f32 v20, v18  }
0x206: {  	v8 =	vor.u32 s16, v1;
	v28 =	vld.idx.msk [tilespmem:v45+s3+$0x0], $0xffff;
	v30 =	vmax.f32 v29, v15;
	v14 =	vmax.f32 v11, v14  }
0x207: {  	v29 =	vmax.f32 v34, v35;
	v22 =	vmax.f32 v36, v24;
	[tilespmem:v41+s30+$0x0] =	vst.idx.msk $0xffff, v14;
	v14 =	vld.idx.msk [tilespmem:v39+s3+$0x0], $0xffff  }
0x208: {  	v18 =	vmax.f32 v6, v7;
	v6 =	vand.u32 v4, v12;
	v12 =	vld.idx.msk [tilespmem:v40+s3+$0x0], $0xffff;
	v11 =	vor.u32 s11, v1  }
0x209: {  	s10 =	simm.s32 $0x10D30;
	s8 =	simm.s32 $0xC320;
	s9 =	simm.s32 $0x0;
	v23 =	vmax.f32 v37, v38;
	v24 =	vmax.f32 v44, v46;
	v7 =	vor.u32 s17, v1;
	[tilespmem:v43+s30+$0x0] =	vst.idx.msk $0xffff, v18  }
.LBB2_15:
0x20a: {  	v34 =	vld [tilespmem:s10+$0x10];
	v15 =	vmax.f32 v32, v26;
	s2 =	sadd.s32 $0x40, s2  }
0x20b: {  	v18 =	vmax.f32 v33, v25;
	s6 =	sadd.s32 $0x40, s6;
	v26 =	vld [tilespmem:s2+$0x10];
	v15 =	vmax.f32 v15, v31  }
0x20c: {  	s7 =	sadd.s32 $0x80, s7;
	v14 =	vmax.f32 v14, v16;
	v25 =	vld [tilespmem:s6+$0x10];
	[tilespmem:v10+s30+$0x0] =	vst.idx.msk $0xffff, v15;
	v10 =	vmax.f32 v18, v30  }
0x20d: {  	s11 =	sadd.s32 $0xFFFFFFA0, s7;
	s12 =	sadd.s32 $0xFFFFFFC0, s7;
	s13 =	sadd.s32 $0xFFFFFFE0, s7;
	v30 =	vor.u32 s7, v0;
	v16 =	vld [tilespmem:s2+$0xFFFFFFE0];
	[tilespmem:v11+s30+$0x0] =	vst.idx.msk $0xffff, v10;
	v10 =	vmax.f32 v14, v29;
	v11 =	vmax.f32 v12, v17  }
0x20e: {  	s14 =	sadd.s32 $0xFFFF6D00, s7;
	s15 =	sadd.s32 $0xFFFF6D20, s7;
	v14 =	vor.u32 s11, v0;
	v12 =	vor.u32 s11, v1;
	s11 =	sadd.s32 $0xFFFF6D40, s7;
	v29 =	vor.u32 s7, v1;
	v17 =	vld [tilespmem:s6+$0xFFFFFFE0];
	[tilespmem:v9+s30+$0x0] =	vst.idx.msk $0xffff, v10  }
0x20f: {  	s9 =	sadd.s32 $0x4, s9;
	v18 =	vor.u32 s12, v0;
	v15 =	vor.u32 s12, v1;
	v9 =	vld [tilespmem:s10+$0xFFFFFFF0];
	v10 =	vand.u32 $0xFFFF, v34  }
0x210: {  	p0 =	slt.u32 s9, $0x180;
	v20 =	vor.u32 s13, v0;
	v19 =	vor.u32 s13, v1;
	v31 =	vld [tilespmem:s2+$0xFFFFFFF0];
	v32 =	vand.u32 $0xFFFF, v26  }
0x211: {  	v13 =	vmax.f32 v27, v13;
	v21 =	vmax.f32 v28, v21;
	v33 =	vld [tilespmem:s6+$0xFFFFFFF0];
	v35 =	vand.u32 $0xFFFF, v25  }
0x212: {  	v28 =	vshrl.u32 v34, $0x10;
	v27 =	vshrl.u32 v16, $0x10;
	v16 =	vand.u32 $0xFFFF, v16;
	v30 =	vld.idx.msk [tilespmem:v30+s3+$0x0], $0xffff  }
0x213: {  	v26 =	vshrl.u32 v26, $0x10;
	v34 =	vshrl.u32 v17, $0x10;
	v17 =	vand.u32 $0xFFFF, v17;
	v29 =	vld.idx.msk [tilespmem:v29+s3+$0x0], $0xffff  }
0x214: {  	v25 =	vshrl.u32 v25, $0x10;
	v36 =	vshrl.u32 v9, $0x10;
	v37 =	vand.u32 $0xFFFF, v9;
	v38 =	vld.idx.msk [tilespmem:v10+s3+$0x0], $0xffff  }
0x215: {  	v9 =	vor.u32 s14, v0;
	v39 =	vshrl.u32 v31, $0x10;
	v31 =	vand.u32 $0xFFFF, v31;
	v32 =	vld.idx.msk [tilespmem:v32+s3+$0x0], $0xffff  }
0x216: {  	v41 =	vor.u32 s15, v0;
	v40 =	vshrl.u32 v33, $0x10;
	v33 =	vand.u32 $0xFFFF, v33;
	v35 =	vld.idx.msk [tilespmem:v35+s3+$0x0], $0xffff  }
0x217: {  	v42 =	vor.u32 s11, v0;
	v22 =	vmax.f32 v11, v22;
	v13 =	vmax.f32 v13, v23;
	v28 =	vld.idx.msk [tilespmem:v28+s3+$0x0], $0xffff  }
0x218: {  	v21 =	vmax.f32 v21, v24;
	v10 =	vand.u32 v2, v9;
	v9 =	vand.u32 v3, v41;
	v23 =	vld.idx.msk [tilespmem:v26+s3+$0x0], $0xffff  }
0x219: {  	s12 =	sadd.s32 $0xFFFF6D60, s7;
	v11 =	vor.u32 s14, v1;
	v24 =	vand.u32 v4, v42;
	v25 =	vld.idx.msk [tilespmem:v25+s3+$0x0], $0xffff;
	[tilespmem:v8+s30+$0x0] =	vst.idx.msk $0xffff, v22;
	v8 =	vor.u32 s15, v1  }
0x21a: {  	v41 =	vor.u32 s12, v0;
	v26 =	vor.u32 s11, v1;
	v22 =	vld [tilespmem:s10+$0x0];
	[tilespmem:v6+s30+$0x0] =	vst.idx.msk $0xffff, v13;
	v6 =	vmov v24  }
0x21b: {  	v24 =	vand.u32 v5, v41;
	v13 =	vld [tilespmem:s2+$0x0];
	[tilespmem:v7+s30+$0x0] =	vst.idx.msk $0xffff, v21;
	v7 =	vmov v26  }
0x21c: {  	v26 =	vor.u32 s12, v1;
	v21 =	vld [tilespmem:s6+$0x0]  }
0x21d: {  	v41 =	vld [tilespmem:s10+$0xFFFFFFE0]  }
0x21e: {  	v42 =	vld.idx.msk [tilespmem:v16+s3+$0x0], $0xffff;
	v16 =	vmax.f32 v30, v38;
	v30 =	vmax.f32 v32, v35  }
0x21f: {  	v28 =	vmax.f32 v29, v28;
	v23 =	vmax.f32 v23, v25;
	v17 =	vld.idx.msk [tilespmem:v17+s3+$0x0], $0xffff;
	v16 =	vmax.f32 v16, v30  }
0x220: {  	s11 =	simm.s32 $0x155F0;
	v25 =	vld.idx.msk [tilespmem:v27+s3+$0x0], $0xffff;
	v27 =	vshrl.u32 v22, $0x10;
	v32 =	vshrl.u32 v13, $0x10;
	[tilespmem:v24+s30+$0x0] =	vst.idx.msk $0xffff, v16;
	v16 =	vmax.f32 v28, v23  }
0x221: {  	s13 =	simm.s32 $0x13D80;
	s12 =	simm.s32 $0x12510;
	v22 =	vand.u32 $0xFFFF, v22;
	v28 =	vand.u32 $0xFFFF, v13;
	v23 =	vld.idx.msk [tilespmem:v34+s3+$0x0], $0xffff;
	v24 =	vshrl.u32 v21, $0x10;
	[tilespmem:v26+s30+$0x0] =	vst.idx.msk $0xffff, v16  }
0x222: {  	v21 =	vand.u32 $0xFFFF, v21;
	v13 =	vshrl.u32 v41, $0x10;
	v26 =	vand.u32 $0xFFFF, v41;
	v16 =	vld.idx.msk [tilespmem:v37+s3+$0x0], $0xffff  }
0x223: {  	v29 =	vld.idx.msk [tilespmem:v31+s3+$0x0], $0xffff  }
0x224: {  	v33 =	vld.idx.msk [tilespmem:v33+s3+$0x0], $0xffff  }
0x225: {  	v31 =	vmax.f32 v42, v17;
	v17 =	vld.idx.msk [tilespmem:v36+s3+$0x0], $0xffff  }
0x226: {  	v34 =	vld.idx.msk [tilespmem:v39+s3+$0x0], $0xffff  }
0x227: {  	v30 =	vmax.f32 v25, v23;
	v26 =	vld.idx.msk [tilespmem:v26+s3+$0x0], $0xffff  }
0x228: {  	v25 =	vld.idx.msk [tilespmem:v13+s3+$0x0], $0xffff  }
0x229: {  	v23 =	vld.idx.msk [tilespmem:v40+s3+$0x0], $0xffff  }
0x22a: {  	v29 =	vmax.f32 v29, v33;
	v13 =	vld.idx.msk [tilespmem:v22+s3+$0x0], $0xffff  }
0x22b: {  	v28 =	vld.idx.msk [tilespmem:v28+s3+$0x0], $0xffff  }
0x22c: {  	v35 =	vld.idx.msk [tilespmem:v21+s3+$0x0], $0xffff  }
0x22d: {  	v21 =	vld.idx.msk [tilespmem:v27+s3+$0x0], $0xffff  }
0x22e: {  	v36 =	vld.idx.msk [tilespmem:v32+s3+$0x0], $0xffff  }
0x22f: {  	v22 =	vmax.f32 v34, v23;
	v24 =	vld.idx.msk [tilespmem:v24+s3+$0x0], $0xffff  }
0x230: {  	v32 =	vld.idx.msk [tilespmem:v14+s3+$0x0], $0xffff  }
.Ltmp6:
0x231: {  	v33 =	vld.idx.msk [tilespmem:v12+s3+$0x0], $0xffff;
	(pc) =	sbr.rel @p0 .LBB2_15-.Ltmp6, $4  }
0x232: {  	v23 =	vmax.f32 v28, v35;
	v14 =	vld.idx.msk [tilespmem:v18+s3+$0x0], $0xffff  }
0x233: {  	v12 =	vld.idx.msk [tilespmem:v15+s3+$0x0], $0xffff  }
0x234: {  	v27 =	vld.idx.msk [tilespmem:v20+s3+$0x0], $0xffff  }
0x235: {  	s10 =	sadd.s32 $0x40, s10;
	v24 =	vmax.f32 v36, v24;
	v28 =	vld.idx.msk [tilespmem:v19+s3+$0x0], $0xffff  }
0x236: {  	_ =	sdelay $0x1  }
0x237: {  	v15 =	vmax.f32 v32, v26  }
0x238: {  	v18 =	vmax.f32 v33, v25;
	v15 =	vmax.f32 v15, v31  }
0x239: {  	v57 =	vmax.f32 v18, v30;
	v14 =	vmax.f32 v14, v16;
	[tilespmem:v10+s30+$0x0] =	vst.idx.msk $0xffff, v15  }
0x23a: {  	v58 =	vmax.f32 v14, v29;
	v59 =	vmax.f32 v12, v17;
	[tilespmem:v11+s30+$0x0] =	vst.idx.msk $0xffff, v57  }
0x23b: {  	[tilespmem:v9+s30+$0x0] =	vst.idx.msk $0xffff, v58;
	v60 =	vmax.f32 v27, v13;
	v61 =	vmax.f32 v59, v22  }
0x23c: {  	v62 =	vmax.f32 v28, v21;
	v9 =	vmax.f32 v60, v23;
	[tilespmem:v8+s30+$0x0] =	vst.idx.msk $0xffff, v61  }
0x23d: {  	v63 =	vmax.f32 v62, v24;
	[tilespmem:v6+s30+$0x0] =	vst.idx.msk $0xffff, v9  }
0x23e: {  	[tilespmem:v7+s30+$0x0] =	vst.idx.msk $0xffff, v63  }
.LBB2_17:
0x23f: {  	v6 =	vld [tilespmem:s12+$0x0]  }
0x240: {  	v7 =	vld [tilespmem:s13+$0x0]  }
0x241: {  	v8 =	vld [tilespmem:s11+$0x0]  }
0x242: {  	v9 =	vor.u32 s8, v0  }
0x243: {  	v10 =	vor.u32 s8, v1  }
0x244: {  	v11 =	vand.u32 $0xFFFF, v6  }
0x245: {  	v12 =	vand.u32 $0xFFFF, v7  }
0x246: {  	v13 =	vand.u32 $0xFFFF, v8  }
0x247: {  	v6 =	vshrl.u32 v6, $0x10;
	v9 =	vld.idx.msk [tilespmem:v9+s3+$0x0], $0xffff  }
0x248: {  	v7 =	vshrl.u32 v7, $0x10;
	v10 =	vld.idx.msk [tilespmem:v10+s3+$0x0], $0xffff  }
0x249: {  	v8 =	vshrl.u32 v8, $0x10;
	v11 =	vld.idx.msk [tilespmem:v11+s3+$0x0], $0xffff  }
0x24a: {  	v12 =	vld.idx.msk [tilespmem:v12+s3+$0x0], $0xffff  }
0x24b: {  	v13 =	vld.idx.msk [tilespmem:v13+s3+$0x0], $0xffff  }
0x24c: {  	v6 =	vld.idx.msk [tilespmem:v6+s3+$0x0], $0xffff  }
0x24d: {  	s2 =	sadd.s32 $0xFFFF6D60, s8;
	v7 =	vld.idx.msk [tilespmem:v7+s3+$0x0], $0xffff  }
0x24e: {  	v14 =	vor.u32 s2, v0;
	v8 =	vld.idx.msk [tilespmem:v8+s3+$0x0], $0xffff  }
0x24f: {  	v14 =	vand.u32 v5, v14  }
0x250: {  	p0 =	sne.s32 s8, $0xC360;
	v15 =	vor.u32 s2, v1  }
.Ltmp7:
0x251: {  	_ = 	snop;
	(pc) =	sbr.rel @p0 .LBB2_17-.Ltmp7, $4  }
0x252: {  	v9 =	vmax.f32 v9, v11;
	v63 =	vmax.f32 v12, v13  }
0x253: {  	v6 =	vmax.f32 v10, v6;
	v7 =	vmax.f32 v7, v8;
	v9 =	vmax.f32 v9, v63  }
0x254: {  	s12 =	sadd.s32 $0x10, s12;
	v6 =	vmax.f32 v6, v7;
	[tilespmem:v14+s30+$0x0] =	vst.idx.msk $0xffff, v9  }
0x255: {  	s13 =	sadd.s32 $0x10, s13;
	s11 =	sadd.s32 $0x10, s11;
	s8 =	sadd.s32 $0x20, s8;
	[tilespmem:v15+s30+$0x0] =	vst.idx.msk $0xffff, v6  }
0x256: {  	s0 =	sadd.s32 $0x92A0, s0  }
0x257: {  	s0 =	sshrl.u32 s0, $0x3  }
0x258: {  	s19 =	sadd.s32 $0x1, s19;
	s0 =	sadd.s32 s4, s0  }
0x259: {  	[hbm4b:s0+s3] =	stream.linear.scatter [tilespmem:s30], [sflag:$0x4], $0x30B0, $0x38;
	[tilespmem:$0x1B7E0] =	vst v63  }
0x25a: {  	p0 =	sne.s32 s19, $0x10;
	_ =	swait.ge [sflag:s31], $0x30E0  }
.Ltmp8:
0x25b: {  	[sflag:s31] =	ssyncset.done $0x0;
	(pc) =	sbr.rel @p0 .LBB2_2-.Ltmp8, $4  }
0x25c: {  	[sflag:s31] =	ssyncadd.s32 $0xFFFFCF20  }
0x25d: {  	_ =	swait.ge [sflag:s1], $0x30B0  }
0x25e: {  	[sflag:s1] =	ssyncset.done $0x0  }
0x25f: {  	[sflag:s1] =	ssyncadd.s32 $0xFFFFCF50  }
0x260: {  	s2 =	rddreg [dreg:$0x10]  }
0x261: {  	s0 =	rddreg [dreg:$0xf];
	s2 =	sadd.s32 $0x1, s2  }
0x262: {  	p0 =	sne.s32 s2, s0  }
.Ltmp9:
0x263: {  	_ = 	snop;
	(pc) =	sbr.rel @p0 .LBB2_1-.Ltmp9, $1  }
0x264: {  	_ =	sdelay $0x3  }
0x265: {  	_ =	sfence.sel $0x180000  }
0x266: {  	[bflag:$0x0] =	sbarrier.arrive $0xFFFF  }
0x267: {  	_ =	strace $0x90000047  }
0x268: {  	s0 =	stileid.u32;
	[bflag:$0x2] =	sbarrier.arrive $0xFFFF  }
0x269: {  	p0 =	sne.s32 s0, $0x0;
	s0 =	rddreg [dreg:$0x2]  }
0x26a: {  	s0 =	sadd.s32 @!p0 $0x100000, s0  }
0x26b: {  	[sflag:s0] =	ssyncadd.tile.s32 @!p0 $0x1;
	_ =	shalt  }
.Lfunc_end2:
_tile_overlayer_lowered:
.L_overlay_start_2:
0x26c: {  	(tag) =	ssettag $0x2  }
0x26d: {  	s0 =	rddreg [dreg:$0x0];
	s2 =	stileid.u32  }
0x26e: {  	s1 =	rddreg [dreg:$0x1];
	p0 =	sne.s32 s2, $0x0  }
0x26f: {  	s3 =	rddreg [dreg:$0x2];
	[bflag:$0x3] =	sbarrier.arrive $0xFFFF;
	s2 =	simm.s32 @!p0 $0x1C05  }
0x270: {  	[timem:s3], [sflag:s2] =	dma.local @!p0 [hbm:s0], s1  }
0x271: {  	s0 =	simm.s32 @!p0 $0x5  }
0x272: {  	_ =	swait.ge @!p0 [sflag:s0], s1  }
0x273: {  	s1 =	ssub.s32 @!p0 $0x0, s1;
	[sflag:s0] =	ssyncset.done @!p0 $0x0  }
0x274: {  	[sflag:s0] =	ssyncadd.s32 @!p0 s1  }
0x275: {  	[bflag:$0x3] =	sbarrier.arrive $0xFFFF  }
0x276: {  	_ =	shalt  }

// kernel: sparse-core-data-format-call.cloned.1.call-start
scs
called_computation_lowered:
.L_overlay_start_0:
0x0: {  	s2 =	sld [smem:$0x3FD9]  }
0x1: {  	s3 =	sld [smem:$0x3FFE];
	_ =	sdelay $0x1  }
0x2: {  	s1 =	srdreg.scid  }
0x3: {  	s0 =	sand.u32 $0x1, s1  }
0x4: {  	s18 =	sshll.u32 s0, $0xA;
	s2 =	sadd.s32 s3, s2  }
0x5: {  	s2 =	sadd.s32 s2, s18  }
0x6: {  	[smem:$0x3FC6] =	sst s2  }
0x7: {  	_ = 	snop  }
0x8: {  	s2 =	sld [smem:$0x3FD0];
	(tm) =	ssettm $0x1  }
0x9: {  	s19 =	sld [smem:$0x3FFB];
	_ =	sdelay $0x3  }
0xa: {  	_ =	strace s19  }
0xb: {  	s3 =	sld [smem:$0x3FFC];
	_ =	sdelay $0x3  }
0xc: {  	_ =	strace s3  }
0xd: {  	s3 =	sld [smem:$0x3FFD];
	_ =	sdelay $0x3  }
0xe: {  	_ =	strace s3  }
0xf: {  	_ =	strace $0x8FFFFFFF  }
0x10: {  	s20 =	sld [smem:$0x3FDB];
	_ =	sdelay $0x1  }
0x11: {  	s4 =	simm.s32 $_scs_section_size  }
0x12: {  	s5 =	simm.s32 $_size__tile_overlayer_lowered;
	s6 =	simm.s32 $_tile_overlayer_lowered  }
0x13: {  	s23 =	simm.s32 $0x1BFF;
	s22 =	sshll.u32 s6, $0x1;
	s3 =	sadd.s32 s4, s20  }
0x14: {  	s7 =	simm.s32 $0x0;
	s21 =	sshll.u32 s5, $0x1;
	s5 =	sadd.s32 s22, s3  }
0x15: {  	[timem:s7], [sflag:s23] =	dma.local [hbm:s5], s21  }
0x16: {  	_ =	swait.ge [sflag:s23], s21  }
0x17: {  	s4 =	ssub.s32 $0x0, s21;
	[sflag:s23] =	ssyncset.done $0x0  }
0x18: {  	[sflag:s23] =	ssyncadd.s32 s4;
	_ =	sdelay $0x1  }
0x19: {  	s24 =	simm.s32 $0x1B8B  }
0x1a: {  	_ =	swait.ge [sflag:s24], $0x1  }
0x1b: {  	[sflag:s24] =	ssyncset.done $0x0  }
0x1c: {  	s26 =	simm.s32 $0x1B8E;
	s25 =	sld [smem:$0x3FFE];
	[sflag:s24] =	ssyncadd.s32 $0xFFFFFFFF  }
0x1d: {  	s27 =	simm.s32 $execute0_lowered;
	[smem:$0x3FD2] =	sst s26  }
0x1e: {  	s5 =	sshll.u32 s27, $0x1;
	_ =	strace $0x80000049;
	[dreg:$0x1] =	wrdreg $0xFFFFFFFF  }
0x1f: {  	s28 =	simm.s32 $_size_execute0_lowered;
	s3 =	sadd.s32 s3, s5;
	[dreg:$0x0] =	wrdreg $0x0  }
0x20: {  	s5 =	sshll.u32 s28, $0x1;
	[dreg:$0x2] =	wrdreg s3  }
0x21: {  	[dreg:$0x3] =	wrdreg s5  }
0x22: {  	[dreg:$0x4] =	wrdreg $0xC0  }
0x23: {  	_ =	task [dreg:s7], $0x5FFFF  }
0x24: {  	[dreg:$0x1] =	wrdreg $0xFFFFFFFF  }
0x25: {  	[dreg:$0x0] =	wrdreg $0x60  }
0x26: {  	[dreg:$0x2] =	wrdreg s25  }
0x27: {  	[dreg:$0x3] =	wrdreg s2  }
0x28: {  	[dreg:$0x4] =	wrdreg $0x9  }
0x29: {  	_ =	task.clear_ibuf [dreg:s7], $0x5FFFF;
	_ =	strace $0x90000049  }
0x2a: {  	s29 =	simm.s32 $0x9;
	_ =	strace $0x8000004B  }
0x2b: {  	_ =	swait.ge [sflag:s29], $0x1  }
0x2c: {  	[sflag:s29] =	ssyncadd.s32 $0xFFFFFFFF  }
0x2d: {  	_ =	strace $0x9000004B  }
0x2e: {  	_ =	sfence  }
0x2f: {  	s30 =	sld [smem:$0x0];
	_ =	sdelay $0x2  }
0x30: {  	s31 =	sshll.u32 s1, $0xD;
	s1 =	sshrl.u32 s1, $0x2  }
0x31: {  	s3 =	sand.u32 $0x4000, s31;
	s1 =	sadd.s32 s1, s30  }
0x32: {  	s0 =	sor.u32 s3, s0;
	s1 =	sshll.u32 s1, $0x11  }
0x33: {  	s0 =	sor.u32 s1, s0  }
0x34: {  	s0 =	sadd.s32 $0x8F2B, s0  }
0x35: {  	[sflag:s0] =	ssyncadd.remote.s32 $0x1  }
0x36: {  	_ =	sfence.sel $0xFFFF  }
0x37: {  	[dreg:$0x0] =	wrdreg $0xFFFFFFFF;
	(pc) =	sbr.abs _section_cstart, $3  }
0x38: {  	[dreg:$0x1] =	wrdreg $0xFFFFFFFF  }
0x39: {  	_ =	task.clear_ibuf [dreg:s7], $0x2FFFF;
	_ =	strace $0x9FFFFFFF  }
0x3a: {  	(tm) =	ssettm $0x7FFFFFFF  }
0x3b: {  	_ =	shalt  }
tec
execute0_lowered:
.L_overlay_start_1:
0x0: {  	(tag) =	ssettag $0x1  }
0x1: {  	s4 =	rddreg [dreg:$0x0];
	s0 =	stileid.u32  }
0x2: {  	s1 =	srdreg.scid;
	s2 =	rddreg [dreg:$0x1]  }
0x3: {  	s8 =	simm.s32 $0x2;
	s17 =	simm.s32 $0x0;
	p0 =	por $0x0, $0x0  }
0x4: {  	s16 =	simm.s32 $0x0;
	s18 =	simm.s32 $0x0;
	s9 =	simm.s32 $0x0  }
0x5: {  	s10 =	simm.s32 $0x0;
	s11 =	simm.s32 $0x0;
	s13 =	simm.s32 $0x0  }
0x6: {  	s15 =	simm.s32 $0x0;
	s3 =	sshll.u32 s0, $0x5;
	s5 =	sshll.u32 s1, $0x9  }
.Ltmp0:
0x7: {  	s1 =	rddreg [dreg:$0x2];
	s3 =	sor.u32 s3, s5;
	(pc) =	sbr.rel .LBB1_1-.Ltmp0, $4  }
0x8: {  	_ =	strace $0x8000004A;
	s4 =	sadd.s32 $0x317000, s4;
	s3 =	sand.u32 $0x380, s3  }
0x9: {  	s7 =	sand.u32 $0x3, s0;
	s5 =	simm.s32 $0x1;
	s6 =	ssub.s32 $0xC300, s3  }
0xa: {  	s14 =	smov.u32 s7;
	[sflag:s5] =	ssyncpa.u1 $0x0;
	s6 =	sshrl.u32 s6, $0xA  }
0xb: {  	[sflag:s8] =	ssyncpa.u1 $0x0;
	s12 =	smov.u32 s3;
	s8 =	sadd.s32 $0x2, s6  }
.LBB1_5:
0xc: {  	p1 =	slt.u32 s15, $0x2  }
0xd: {  	p2 =	sgt.s32 @!p1 s18, $0x3  }
0xe: {  	s19 =	smov.u32 s18;
	s20 =	sshra.s32 @!p1 s18, $0x1F;
	p2 =	por !p2, p1  }
0xf: {  	s18 =	sand.u32 @!p1 s20, s18;
	s19 =	simm.s32 @p2 $0x3  }
0x10: {  	p3 =	sgt.s32 @!p1 s17, $0xC2D0;
	s18 =	ssub.s32 @!p1 s19, s18  }
0x11: {  	p3 =	por !p3, p1;
	s20 =	smov.u32 s17;
	s19 =	sadd.s32 @!p1 $0xFFFFFFFD, s18  }
0x12: {  	s18 =	ssub.s32 @!p1 $0x4, s18;
	p2 =	sgt.s32 @!p1 s19, $0x0;
	s19 =	sshra.s32 @!p1 s17, $0x1F  }
0x13: {  	s17 =	sand.u32 @!p1 s19, s17;
	s19 =	ssub.s32 @!p1 $0x0, s16;
	p2 =	por !p2, p1  }
0x14: {  	s20 =	simm.s32 @p3 $0xC2D0;
	s16 =	smin.u32 @!p1 s16, s19;
	s18 =	simm.s32 @!p2 $0x0  }
0x15: {  	s17 =	ssub.s32 @!p1 s20, s17;
	s20 =	smov.u32 s13;
	p2 =	sgt.s32 @!p1 s16, $0x7F  }
0x16: {  	s19 =	sadd.s32 @!p1 $0xFFFF3D30, s17;
	s16 =	ssub.s32 @!p1 $0x80, s16;
	p2 =	por !p2, p1  }
0x17: {  	s17 =	ssub.s32 @!p1 $0xC350, s17;
	p3 =	sgt.s32 @!p1 s19, $0x7F;
	s16 =	simm.s32 @!p2 $0x0  }
0x18: {  	s19 =	sadd.s32 $0x400, s12;
	p2 =	por !p3, p1;
	s16 =	smul.u32 @!p1 s18, s16  }
0x19: {  	s17 =	simm.s32 @!p2 $0x0;
	p2 =	sgt.s32 s19, $0xC34F;
	s18 =	sadd.s32 $0x80, s13  }
0x1a: {  	s21 =	smov.u32 s14;
	s20 =	smov.u32 @p2 s18  }
0x1b: {  	s16 =	smul.u32 @!p1 s17, s16;
	p3 =	sgt.s32 s20, $0x7F;
	s17 =	sadd.s32 $0x4, s14  }
0x1c: {  	p0 =	por !p0, !p0;
	s22 =	simm.s32 @!p1 $0x2;
	s21 =	smov.u32 @p3 s17  }
0x1d: {  	s19 =	smov.u32 @p2 s3;
	s18 =	smov.u32 s11;
	p2 =	sgt.s32 s21, $0x3  }
0x1e: {  	s11 =	smov.u32 s14;
	s21 =	smov.u32 @p2 s7;
	p2 =	sne.s32 s15, s8  }
.Ltmp1:
0x1f: {  	s20 =	simm.s32 @p3 $0x0;
	s17 =	smov.u32 s9;
	(pc) =	sbr.rel @!p2 .LBB1_6-.Ltmp1, $4  }
0x20: {  	s9 =	smov.u32 s12;
	s12 =	smov.u32 s19;
	s16 =	sand.u32 @!p1 $0x3FFFFFFF, s16  }
0x21: {  	_ =	swait.ge @!p1 [sflag:s22], s16;
	s23 =	ssub.s32 @!p1 $0x0, s16;
	s16 =	smov.u32 s10  }
0x22: {  	s15 =	sadd.s32 $0x1, s15;
	s10 =	smov.u32 s13;
	[sflag:s22] =	ssyncset.done @!p1 $0x0  }
0x23: {  	s13 =	smov.u32 s20;
	s14 =	smov.u32 s21;
	[sflag:s22] =	ssyncadd.s32 @!p1 s23  }
.LBB1_1:
0x24: {  	p1 =	sgt.u32 s15, s6  }
0x25: {  	s19 =	sshrl.u32 @!p1 s13, $0x3  }
0x26: {  	s20 =	sshll.u32 @!p1 s12, $0x3;
	s19 =	smul.u32 @!p1 $0x61C00, s19  }
0x27: {  	s21 =	sshll.u32 @!p1 s13, $0x7;
	s20 =	sand.u32 @!p1 $0xFFFFFC00, s20  }
0x28: {  	s19 =	sadd.s32 @!p1 s19, s20;
	s20 =	sand.u32 @!p1 $0x380, s21  }
0x29: {  	s21 =	sand.u32 @!p1 $0x7F, s12;
	s19 =	sor.u32 @!p1 s20, s19  }
0x2a: {  	s20 =	sor.u32 @!p1 s21, s19  }
0x2b: {  	s21 =	smulhi.u32 @!p1 $0xA79C7B17, s20  }
0x2c: {  	s19 =	smulhi.u32 @!p1 $0xA79C7B17, s19  }
0x2d: {  	s21 =	sshrl.u32 @!p1 s21, $0xF  }
0x2e: {  	s19 =	sshrl.u32 @!p1 s19, $0xF;
	s21 =	smul.u32 @!p1 $0xC380, s21  }
0x2f: {  	s22 =	sxor.u32 @!p1 $0xFFFFFFFF, s15;
	s23 =	smul.u32 @!p1 $0xC3800, s14;
	s19 =	sand.u32 @!p1 $0x7F, s19  }
0x30: {  	s22 =	sshll.u32 @!p1 s22, $0xE;
	s19 =	smul.u32 @!p1 $0x1870, s19;
	s20 =	ssub.s32 @!p1 s20, s21  }
0x31: {  	s21 =	sand.u32 @!p1 $0x4000, s22;
	s22 =	sadd.s32 @!p1 s4, s23;
	s23 =	sand.u32 @!p1 $0x7, s20  }
0x32: {  	s20 =	sshrl.u32 @!p1 s20, $0x3;
	s19 =	sadd.s32 @!p1 s19, s22;
	s22 =	sshll.u32 @!p1 s23, $0x12  }
0x33: {  	s19 =	sadd.s32 @!p1 s20, s19;
	s20 =	sor.u32 @!p1 $0x400, s22;
	s22 =	simm.s32 @!p1 $0x61C00  }
0x34: {  	[tilespmem:s21], [sflag:$0x1] =	stream.strided.gather @!p1 [hbm4b:s19+s20], $0x4000, s22, s20, $0x38;
	[tilespmem:$0x10100] =	vst v63  }
0x35: {  	p1 =	seq.s32 s15, $0x0  }
0x36: {  	p2 =	sge.u32 @!p1 s15, s8  }
0x37: {  	p1 =	por p1, p2  }
.Ltmp2:
0x38: {  	_ = 	snop;
	(pc) =	sbr.rel @p1 .LBB1_5-.Ltmp2, $1  }
0x39: {  	_ =	sdelay $0x3  }
0x3a: {  	s19 =	simm.s32 $0x1  }
0x3b: {  	_ =	swait.ge [sflag:s5], $0x4000;
	s19 =	simm.s32 @!p0 $0x0  }
0x3c: {  	[sflag:s5] =	ssyncset.done $0x0;
	s20 =	sshll.u32 s19, $0xE  }
0x3d: {  	[sflag:s5] =	ssyncadd.s32 $0xFFFFC000;
	s20 =	sor.u32 $0x40, s20  }
0x3e: {  	s19 =	smul.u32 $0x10200, s19;
	v0 =	vld [tilespmem:s20+$0x30]  }
0x3f: {  	v1 =	vld [tilespmem:s20+$0xFFFFFFD0]  }
0x40: {  	s19 =	sshrl.u32 s19, $0x2;
	v5 =	vld [tilespmem:s20+$0xFFFFFFE0]  }
0x41: {  	v6 =	vld [tilespmem:s20+$0xFFFFFFF0];
	s22 =	sor.u32 $0x8000, s19  }
0x42: {  	s31 =	sand.u32 $0x1, s15;
	v4 =	vld [tilespmem:s20+$0x0];
	s21 =	sadd.s32 $0x0, s22  }
0x43: {  	v3 =	vld [tilespmem:s20+$0x10];
	s19 =	smul.u32 $0x10200, s31;
	[tilespmem:s21+$0x3870 ss:$0x81] =	vst.msk $0xffff, v0  }
0x44: {  	v2 =	vld [tilespmem:s20+$0x20];
	[tilespmem:s21+$0x810 ss:$0x81] =	vst.msk $0xffff, v1  }
0x45: {  	s19 =	sshrl.u32 s19, $0x2;
	v0 =	vld [tilespmem:s20+$0xFFFFFFC0];
	[tilespmem:s21+$0x1020 ss:$0x81] =	vst.msk $0xffff, v5;
	s20 =	sadd.s32 $0x80, s20  }
0x46: {  	s23 =	simm.s32 $0x4;
	s24 =	simm.s32 $0x8;
	s19 =	sor.u32 $0x8000, s19;
	[tilespmem:s21+$0x1830 ss:$0x81] =	vst.msk $0xffff, v6;
	v1 =	vld [tilespmem:s20+$0x30]  }
.LBB1_3:
0x47: {  	p1 =	sne.s32 s24, $0x1FC;
	v5 =	vld [tilespmem:s20+$0xFFFFFFD0];
	[tilespmem:s21+$0x2040 ss:$0x81] =	vst.msk $0xffff, v4  }
0x48: {  	v6 =	vld [tilespmem:s20+$0xFFFFFFE0];
	[tilespmem:s21+$0x2850 ss:$0x81] =	vst.msk $0xffff, v3  }
0x49: {  	s25 =	sshra.s32 s23, $0x2;
	s23 =	smov.u32 s24;
	v7 =	vld [tilespmem:s20+$0xFFFFFFF0];
	[tilespmem:s21+$0x3060 ss:$0x81] =	vst.msk $0xffff, v2  }
.Ltmp3:
0x4a: {  	v4 =	vld [tilespmem:s20+$0x0];
	[tilespmem:s21+$0x0 ss:$0x81] =	vst.msk $0xffff, v0;
	s21 =	sadd.s32 s25, s22;
	(pc) =	sbr.rel @p1 .LBB1_3-.Ltmp3, $4  }
0x4b: {  	v3 =	vld [tilespmem:s20+$0x10];
	[tilespmem:s21+$0x3870 ss:$0x81] =	vst.msk $0xffff, v1  }
0x4c: {  	[tilespmem:s21+$0x810 ss:$0x81] =	vst.msk $0xffff, v5;
	v2 =	vld [tilespmem:s20+$0x20]  }
0x4d: {  	v0 =	vld [tilespmem:s20+$0xFFFFFFC0];
	[tilespmem:s21+$0x1020 ss:$0x81] =	vst.msk $0xffff, v6;
	s20 =	sadd.s32 $0x80, s20  }
0x4e: {  	s24 =	sadd.s32 $0x4, s24;
	v1 =	vld [tilespmem:s20+$0x30];
	[tilespmem:s21+$0x1830 ss:$0x81] =	vst.msk $0xffff, v7  }
0x4f: {  	s24 =	sshll.u32 s9, $0x7  }
0x50: {  	s25 =	sshll.u32 s10, $0x3;
	p1 =	sgt.s32 s11, $0x3;
	s29 =	sshra.s32 s11, $0x1F  }
0x51: {  	s23 =	sshra.s32 s23, $0x2;
	s26 =	sand.u32 $0xFFFFFC00, s24;
	s25 =	sand.u32 $0xFFFFFC00, s25  }
0x52: {  	s28 =	ssub.s32 $0x0, s10;
	s24 =	sand.u32 $0x380, s24;
	s25 =	sadd.s32 s25, s26  }
0x53: {  	[tilespmem:s21+$0x2040 ss:$0x81] =	vst.msk $0xffff, v4;
	s22 =	sadd.s32 s23, s22;
	s24 =	sor.u32 s24, s25;
	s25 =	smov.u32 s11  }
0x54: {  	[tilespmem:s21+$0x2850 ss:$0x81] =	vst.msk $0xffff, v3;
	s26 =	sand.u32 s29, s11;
	s24 =	sshrl.u32 s24, $0x7;
	s25 =	simm.s32 @!p1 $0x3  }
0x55: {  	v5 =	vld [tilespmem:s20+$0xFFFFFFD0];
	[tilespmem:s21+$0x3060 ss:$0x81] =	vst.msk $0xffff, v2;
	s29 =	sshra.s32 s9, $0x1F;
	s27 =	smulhi.u32 $0x14F8B59, s24;
	s25 =	ssub.s32 s25, s26  }
0x56: {  	v58 =	vld [tilespmem:s20+$0xFFFFFFE0];
	[tilespmem:s21+$0x0 ss:$0x81] =	vst.msk $0xffff, v0;
	s21 =	sand.u32 s29, s9;
	s30 =	sadd.s32 $0xFFFFFFFD, s25;
	s23 =	ssub.s32 $0x4, s25  }
0x57: {  	v59 =	vld [tilespmem:s20+$0xFFFFFFF0];
	s25 =	smov.u32 s9;
	s31 =	sshrl.u32 s27, $0x8;
	p1 =	sgt.s32 s30, $0x0  }
0x58: {  	v60 =	vld [tilespmem:s20+$0x0];
	s27 =	smin.u32 s10, s28;
	s23 =	simm.s32 @p1 $0x0;
	p1 =	sgt.s32 s9, $0xC2D0  }
0x59: {  	v61 =	vld [tilespmem:s20+$0x10];
	[tilespmem:s22+$0x3870 ss:$0x81] =	vst.msk $0xffff, v1;
	s25 =	simm.s32 @!p1 $0xC2D0;
	p1 =	sgt.s32 s27, $0x7F;
	s27 =	ssub.s32 $0x80, s27  }
0x5a: {  	v62 =	vld [tilespmem:s20+$0x20];
	[tilespmem:s22+$0x810 ss:$0x81] =	vst.msk $0xffff, v5;
	s30 =	smul.u32 $0xC350, s31;
	s21 =	ssub.s32 s25, s21;
	s27 =	simm.s32 @p1 $0x0  }
0x5b: {  	v63 =	vld [tilespmem:s20+$0xFFFFFFC0];
	[tilespmem:s22+$0x1020 ss:$0x81] =	vst.msk $0xffff, v58;
	s28 =	sshrl.u32 s10, $0x3;
	s31 =	smul.u32 s23, s27;
	s26 =	sadd.s32 $0xFFFF3D30, s21  }
0x5c: {  	[tilespmem:s22+$0x1830 ss:$0x81] =	vst.msk $0xffff, v59;
	s21 =	ssub.s32 $0xC350, s21;
	s27 =	smul.u32 $0xC3500, s11;
	p1 =	sgt.s32 s26, $0x7F  }
.Ltmp4:
0x5d: {  	[tilespmem:s22+$0x2040 ss:$0x81] =	vst.msk $0xffff, v60;
	s29 =	sand.u32 $0xF, s28;
	s21 =	simm.s32 @p1 $0x0;
	(pc) =	sbr.rel .LBB1_5-.Ltmp4, $4  }
0x5e: {  	[tilespmem:s22+$0x2850 ss:$0x81] =	vst.msk $0xffff, v61;
	s24 =	ssub.s32 s24, s30;
	s23 =	sadd.s32 s2, s27;
	s20 =	smul.u32 s21, s31  }
0x5f: {  	[tilespmem:s22+$0x3060 ss:$0x81] =	vst.msk $0xffff, v62;
	s30 =	sshll.u32 s24, $0x4;
	s21 =	sadd.s32 s29, s23  }
0x60: {  	[tilespmem:s22+$0x0 ss:$0x81] =	vst.msk $0xffff, v63;
	s31 =	sand.u32 $0x7, s10;
	s21 =	sadd.s32 s30, s21;
	s20 =	sand.u32 $0x3FFFFFFF, s20  }
0x61: {  	[hbm4b:s21+s31] =	stream.linear.scatter [tilespmem:s19], [sflag:$0x2], s20, $0x20;
	[tilespmem:$0x10100] =	vst v63  }
.LBB1_6:
0x62: {  	_ =	sfence.sel $0x180000  }
0x63: {  	s2 =	simm.s32 $0x1;
	[bflag:$0x0] =	sbarrier.arrive $0xFFFF  }
0x64: {  	s31 =	simm.s32 $0x2;
	[sflag:s2] =	ssyncpa.u1 $0x1  }
0x65: {  	[sflag:s31] =	ssyncpa.u1 $0x1  }
0x66: {  	p0 =	sne.s32 s0, $0x0;
	_ =	strace $0x9000004A  }
0x67: {  	s0 =	sadd.s32 @!p0 $0x100000, s1;
	[bflag:$0x2] =	sbarrier.arrive $0xFFFF  }
0x68: {  	[sflag:s0] =	ssyncadd.tile.s32 @!p0 $0x1;
	_ =	shalt  }
.Lfunc_end1:
_tile_overlayer_lowered:
.L_overlay_start_2:
0x69: {  	(tag) =	ssettag $0x2  }
0x6a: {  	s0 =	rddreg [dreg:$0x0];
	s2 =	stileid.u32  }
0x6b: {  	s1 =	rddreg [dreg:$0x1];
	p0 =	sne.s32 s2, $0x0  }
0x6c: {  	s3 =	rddreg [dreg:$0x2];
	[bflag:$0x3] =	sbarrier.arrive $0xFFFF;
	s2 =	simm.s32 @!p0 $0x1C01  }
0x6d: {  	[timem:s3], [sflag:s2] =	dma.local @!p0 [hbm:s0], s1  }
0x6e: {  	s0 =	simm.s32 @!p0 $0x1  }
0x6f: {  	_ =	swait.ge @!p0 [sflag:s0], s1  }
0x70: {  	s1 =	ssub.s32 @!p0 $0x0, s1;
	[sflag:s0] =	ssyncset.done @!p0 $0x0  }
0x71: {  	[sflag:s0] =	ssyncadd.s32 @!p0 s1  }
0x72: {  	[bflag:$0x3] =	sbarrier.arrive $0xFFFF  }
0x73: {  	_ =	shalt  }

</sc_bundles>
